<compile_context>
chip_gen: v7x
topology: tpu7x:2x2x1
jax: 0.10.2.dev20260603
libtpu: 0.0.44.dev20260713+nightly
codegen_flags: <defaults>
</compile_context>

<pallas_src>
import functools

import jax
import jax.numpy as jnp
from jax import lax
from jax.experimental import pallas as pl
from jax.experimental.pallas import tpu as pltpu
from jax.experimental.pallas import tpu_sc as plsc

NC = 2
NS = 16
NW = NC * NS
PK = 8


def _proj_body(nf_ref, ws_ref, wt_ref, ps_ref, pt_ref):
    x = nf_ref[...]
    ps_ref[...] = jnp.dot(x, ws_ref[...], preferred_element_type=jnp.float32)
    pt_ref[...] = jnp.dot(x, wt_ref[...], preferred_element_type=jnp.float32)


def _tc_project(nf, w_s, w_t):
    n, _ = nf.shape
    de = w_s.shape[1]
    out = jax.ShapeDtypeStruct((n, de), jnp.float32)
    return pl.pallas_call(_proj_body, out_shape=(out, out))(nf, w_s, w_t)


def _sc_gather(ps, pt, ei, epw, ch):
    n, de = ps.shape
    e = ei.shape[1]
    ep, dep = e // PK, de * PK
    nchunk = epw // ch
    chp = ch // PK
    mesh = plsc.VectorSubcoreMesh(core_axis_name="c", subcore_axis_name="s")

    @functools.partial(
        pl.kernel,
        out_type=jax.ShapeDtypeStruct((ep, dep), jnp.float32),
        mesh=mesh,
        compiler_params=pltpu.CompilerParams(use_tc_tiling_on_sc=False),
        scratch_types=[
            pltpu.VMEM_SHARED((n, de), jnp.float32),
            pltpu.VMEM_SHARED((n, de), jnp.float32),
            pltpu.VMEM((ch,), jnp.int32),
            pltpu.VMEM((ch,), jnp.int32),
            pltpu.VMEM((ch, de), jnp.float32),
            pltpu.VMEM((ch, de), jnp.float32),
            pltpu.VMEM((chp, dep), jnp.float32),
        ],
    )
    def k(ps_hbm, pt_hbm, ei_hbm, out_hbm,
          ps_sh, pt_sh, idx_s, idx_t, gs, gt, xp):
        cid = lax.axis_index("c")
        sid = lax.axis_index("s")
        wid = cid * NS + sid

        @pl.when(sid == 0)
        def _():
            pltpu.sync_copy(ps_hbm, ps_sh)
            pltpu.sync_copy(pt_hbm, pt_sh)

        plsc.subcore_barrier()

        def chunk(ci, carry):
            base = wid * epw + ci * ch
            pbase = base // PK
            pltpu.sync_copy(ei_hbm.at[0, pl.ds(base, ch)], idx_s)
            pltpu.sync_copy(ei_hbm.at[1, pl.ds(base, ch)], idx_t)
            pltpu.sync_copy(ps_sh.at[idx_s], gs)
            pltpu.sync_copy(pt_sh.at[idx_t], gt)

            def row(i, c2):
                xp[i // PK, pl.ds((i % PK) * de, de)] = gs[i, :] + gt[i, :]
                return c2

            lax.fori_loop(0, ch, row, 0, unroll=8)
            pltpu.sync_copy(xp, out_hbm.at[pl.ds(pbase, chp)])
            return carry

        lax.fori_loop(0, nchunk, chunk, 0)

    return k(ps, pt, ei)


def _ln_body(efp_ref, gp_ref, wblk_ref, bd_ref, bblk_ref, ge_ref, bte_ref, out_ref):
    x = jnp.dot(efp_ref[...], wblk_ref[...], preferred_element_type=jnp.float32)
    x = x + gp_ref[...] + bblk_ref[...]
    mu = jnp.dot(x, bd_ref[...], preferred_element_type=jnp.float32)
    xc = x - mu
    var = jnp.dot(xc * xc, bd_ref[...], preferred_element_type=jnp.float32)
    out_ref[...] = xc * lax.rsqrt(var + 1e-5) * ge_ref[...] + bte_ref[...]


def _tc_edge_ln(efp, gp, wblk, bd, g_e, bt_e, bblk, bp):
    ep, dep = efp.shape
    grid = ep // bp
    row_spec = pl.BlockSpec((bp, dep), lambda i: (i, 0))
    par_spec = pl.BlockSpec((1, dep), lambda i: (0, 0))
    mat_spec = pl.BlockSpec((dep, dep), lambda i: (0, 0))
    return pl.pallas_call(
        _ln_body,
        grid=(grid,),
        in_specs=[row_spec, row_spec, mat_spec, mat_spec,
                  par_spec, par_spec, par_spec],
        out_specs=row_spec,
        out_shape=jax.ShapeDtypeStruct((ep, dep), jnp.float32),
    )(efp, gp, wblk, bd, bblk.reshape(1, dep),
      jnp.tile(g_e, (PK,)).reshape(1, dep),
      jnp.tile(bt_e, (PK,)).reshape(1, dep))


def _sc_scatter(ne2, ei, n, de, epw, ch):
    e = ne2.shape[0]
    nchunk = epw // ch
    mesh = plsc.VectorSubcoreMesh(core_axis_name="c", subcore_axis_name="s")
    zr = n // NS
    part = jax.ShapeDtypeStruct((NC, n, de), jnp.float32)

    @functools.partial(
        pl.kernel,
        out_type=(part, part),
        mesh=mesh,
        compiler_params=pltpu.CompilerParams(use_tc_tiling_on_sc=False),
        scratch_types=[
            pltpu.VMEM_SHARED((n, de), jnp.float32),
            pltpu.VMEM_SHARED((n, de), jnp.float32),
            pltpu.VMEM((ch,), jnp.int32),
            pltpu.VMEM((ch,), jnp.int32),
            pltpu.VMEM((ch, de), jnp.float32),
            pltpu.VMEM((ch, de), jnp.float32),
        ],
    )
    def k(ne_hbm, ei_hbm, zeros_hbm, ones_hbm,
          sum_hbm, cnt_hbm, acc_s, acc_c, idx_s, idx_t, val, ones_v):
        cid = lax.axis_index("c")
        sid = lax.axis_index("s")
        wid = cid * NS + sid

        pltpu.sync_copy(ones_hbm, ones_v)
        pltpu.sync_copy(zeros_hbm.at[pl.ds(sid * zr, zr)], acc_s.at[pl.ds(sid * zr, zr)])
        pltpu.sync_copy(zeros_hbm.at[pl.ds(sid * zr, zr)], acc_c.at[pl.ds(sid * zr, zr)])
        plsc.subcore_barrier()

        def chunk(ci, carry):
            base = wid * epw + ci * ch
            pltpu.sync_copy(ei_hbm.at[0, pl.ds(base, ch)], idx_s)
            pltpu.sync_copy(ei_hbm.at[1, pl.ds(base, ch)], idx_t)
            pltpu.sync_copy(ne_hbm.at[pl.ds(base, ch)], val)
            pltpu.sync_copy(val, acc_s.at[idx_s], add=True)
            pltpu.sync_copy(val, acc_s.at[idx_t], add=True)
            pltpu.sync_copy(ones_v, acc_c.at[idx_s], add=True)
            pltpu.sync_copy(ones_v, acc_c.at[idx_t], add=True)
            return carry

        lax.fori_loop(0, nchunk, chunk, 0)
        plsc.subcore_barrier()
        pltpu.sync_copy(acc_s.at[pl.ds(sid * zr, zr)], sum_hbm.at[cid, pl.ds(sid * zr, zr)])
        pltpu.sync_copy(acc_c.at[pl.ds(sid * zr, zr)], cnt_hbm.at[cid, pl.ds(sid * zr, zr)])

    zeros = jnp.zeros((n, de), jnp.float32)
    ones = jnp.ones((ch, de), jnp.float32)
    return k(ne2, ei, zeros, ones)


def _node_body(nf_ref, sum_ref, cnt_ref, wn1_ref, wn2_ref, bn_ref, gn_ref,
               btn_ref, out_ref):
    nf = nf_ref[...]
    s = sum_ref[0] + sum_ref[1]
    c = cnt_ref[0, :, 0:1] + cnt_ref[1, :, 0:1]
    m = s / (c + 1e-10)
    x = nf + jnp.dot(nf, wn1_ref[...], preferred_element_type=jnp.float32)
    x = x + jnp.dot(m, wn2_ref[...], preferred_element_type=jnp.float32)
    x = x + bn_ref[...]
    mu = jnp.mean(x, axis=-1, keepdims=True)
    xc = x - mu
    var = jnp.mean(xc * xc, axis=-1, keepdims=True)
    out_ref[...] = xc * lax.rsqrt(var + 1e-5) * gn_ref[...] + btn_ref[...]


def _tc_node_update(nf, sum_p, cnt_p, w_n1, w_n2, b_n, g_n, bt_n):
    n, dn = nf.shape
    return pl.pallas_call(
        _node_body,
        out_shape=jax.ShapeDtypeStruct((n, dn), jnp.float32),
    )(nf, sum_p, cnt_p, w_n1, w_n2,
      b_n.reshape(1, dn), g_n.reshape(1, dn), bt_n.reshape(1, dn))


def kernel(node_features, edge_features, edge_index, W_e, b_e, g_e, bt_e,
           W_n, b_n, g_n, bt_n):
    n, dn = node_features.shape
    e, de = edge_features.shape
    w_ee = W_e[:de]
    w_es = W_e[de:de + dn]
    w_et = W_e[de + dn:]
    w_n1 = W_n[:dn]
    w_n2 = W_n[dn:]

    epw = e // NW
    ch = 2000

    bd = jnp.kron(jnp.eye(PK, dtype=jnp.float32),
                  jnp.full((de, de), 1.0 / de, jnp.float32))
    wblk = jnp.kron(jnp.eye(PK, dtype=jnp.float32),
                    jnp.eye(de, dtype=jnp.float32) + w_ee)
    bblk = jnp.tile(b_e, (PK,))
    efp = edge_features.reshape(e // PK, de * PK)

    ps, pt = _tc_project(node_features, w_es, w_et)
    gp = _sc_gather(ps, pt, edge_index, epw, ch)
    nep = _tc_edge_ln(efp, gp, wblk, bd, g_e, bt_e, bblk, bp=2000)
    new_edges = nep.reshape(e, de)
    sum_p, cnt_p = _sc_scatter(new_edges, edge_index, n, de, epw, ch)
    new_nodes = _tc_node_update(node_features, sum_p, cnt_p, w_n1, w_n2,
                                b_n, g_n, bt_n)
    return (new_nodes, new_edges)

# --- scband reference (transcript-rebuilt; emitter-appended) ---
"""Pipeline reference for scband-reconciliation-bridge-8521215115945 (READ-ONLY COPY).

The authoritative reference and input builder live on the scoring server;
editing this copy changes nothing except your own understanding.
"""

import jax, jax.numpy as jnp
import numpy as np


def layer_norm(x, gamma, beta, eps=1e-5):
    mu = jnp.mean(x, axis=-1, keepdims=True)
    var = jnp.mean((x - mu) ** 2, axis=-1, keepdims=True)
    return (x - mu) / jnp.sqrt(var + eps) * gamma + beta


def setup_inputs(seed: int = 0) -> dict:
    key = jax.random.key(seed)
    ks = jax.random.split(key, 8)
    N, E, d_node, d_edge = 10000, 320000, 128, 16
    node_features = jax.random.normal(ks[0], (N, d_node), jnp.float32)
    edge_features = jax.random.normal(ks[1], (E, d_edge), jnp.float32)
    edge_index = jax.random.randint(ks[2], (2, E), 0, N, jnp.int32)
    in_e = d_edge + 2 * d_node
    in_n = d_node + d_edge
    W_e = jax.random.normal(ks[3], (in_e, d_edge), jnp.float32) / np.sqrt(in_e)
    b_e = jnp.zeros((d_edge,), jnp.float32)
    g_e = jnp.ones((d_edge,), jnp.float32)
    bt_e = jnp.zeros((d_edge,), jnp.float32)
    W_n = jax.random.normal(ks[4], (in_n, d_node), jnp.float32) / np.sqrt(in_n)
    b_n = jnp.zeros((d_node,), jnp.float32)
    g_n = jnp.ones((d_node,), jnp.float32)
    bt_n = jnp.zeros((d_node,), jnp.float32)
    return {"node_features": node_features, "edge_features": edge_features,
            "edge_index": edge_index, "W_e": W_e, "b_e": b_e, "g_e": g_e, "bt_e": bt_e,
            "W_n": W_n, "b_n": b_n, "g_n": g_n, "bt_n": bt_n}


def reference(node_features, edge_features, edge_index, W_e, b_e, g_e, bt_e, W_n, b_n, g_n, bt_n):
    src = edge_index[0]
    tgt = edge_index[1]
    edge_ctx = jnp.concatenate([edge_features, node_features[src], node_features[tgt]], axis=-1)
    new_edges = layer_norm(edge_features + edge_ctx @ W_e + b_e, g_e, bt_e)
    N = node_features.shape[0]
    all_nodes = jnp.concatenate([src, tgt], axis=0)
    all_edges = jnp.concatenate([new_edges, new_edges], axis=0)
    edge_sum = jax.ops.segment_sum(all_edges, all_nodes, num_segments=N)
    ones = jnp.ones((all_nodes.shape[0], 1), jnp.float32)
    edge_count = jax.ops.segment_sum(ones, all_nodes, num_segments=N)
    edge_mean = edge_sum / (edge_count + 1e-10)
    node_ctx = jnp.concatenate([node_features, edge_mean], axis=-1)
    new_nodes = layer_norm(node_features + node_ctx @ W_n + b_n, g_n, bt_n)
    return (new_nodes, new_edges)

if __name__ == "__main__":
    import jax
    _d = setup_inputs()
    print(jax.jit(kernel)(*tuple(_d.values())))

</pallas_src>

<mosaic_0001>
#map = affine_map<(d0, d1) -> (0, 0)>
#map1 = affine_map<(d0, d1) -> (0, 0, 0)>
module attributes {stable_mosaic.version = 14 : i64} {
  func.func @k(%arg0: i32, %arg1: i32, %arg2: memref<320000x16xf32, #tpu.memory_space<hbm>>, %arg3: memref<2x320000xi32, #tpu.memory_space<hbm>>, %arg4: memref<10000x16xf32, #tpu.memory_space<hbm>>, %arg5: memref<2000x16xf32, #tpu.memory_space<hbm>>, %arg6: memref<2x10000x16xf32, #tpu.memory_space<hbm>>, %arg7: memref<2x10000x16xf32, #tpu.memory_space<hbm>>, %arg8: memref<10000x16xf32, #tpu.memory_space<vmem_shared>>, %arg9: memref<10000x16xf32, #tpu.memory_space<vmem_shared>>, %arg10: memref<2000xi32, #tpu.memory_space<vmem>>, %arg11: memref<2000xi32, #tpu.memory_space<vmem>>, %arg12: memref<2000x16xf32, #tpu.memory_space<vmem>>, %arg13: memref<2000x16xf32, #tpu.memory_space<vmem>>) attributes {dimension_semantics = [#tpu.dimension_semantics<core_parallel>, #tpu.dimension_semantics<subcore_parallel>], iteration_bounds = array<i64: 2, 16>, scalar_prefetch = 0 : i64, scratch_operands = 6 : i64, tpu.core_type = #tpu.core_type<sc_vector_subcore>, window_params = [{transform_indices = #map}, {transform_indices = #map}, {transform_indices = #map}, {transform_indices = #map}, {transform_indices = #map1}, {transform_indices = #map1}]} {
    %mul3A = arith.constant 16 : i32
    %mul3A_0 = arith.muli %arg0, %mul3A : i32
    %add3A = arith.addi %mul3A_0, %arg1 : i32
    "tpu.region"() ({
      %run_scoped3A = tpu.sem_alloc : memref<!tpu.dma_semaphore, #tpu.memory_space<semaphore_mem>>
      tpu.enqueue_dma source(%arg5 : memref<2000x16xf32, #tpu.memory_space<hbm>>) target(%arg13 : memref<2000x16xf32, #tpu.memory_space<vmem>>) target_semaphore(%run_scoped3A : memref<!tpu.dma_semaphore, #tpu.memory_space<semaphore_mem>>)
      tpu.wait_dma2 semaphore(%run_scoped3A : memref<!tpu.dma_semaphore, #tpu.memory_space<semaphore_mem>>) src(%arg5 : memref<2000x16xf32, #tpu.memory_space<hbm>>) dst(%arg13 : memref<2000x16xf32, #tpu.memory_space<vmem>>)
      tpu.yield
    }) : () -> ()
    %mul3A_1 = arith.constant 625 : i32
    %mul3A_2 = arith.muli %arg1, %mul3A_1 : i32
    %mul3A_3 = arith.constant 625 : i32
    %mul3A_4 = arith.muli %arg1, %mul3A_3 : i32
    "tpu.region"() ({
      %run_scoped3A = tpu.sem_alloc : memref<!tpu.dma_semaphore, #tpu.memory_space<semaphore_mem>>
      %dma_start3A = arith.constant 0 : i32
      %dma_start3A_23 = tpu.memref_slice %arg8[%mul3A_4, %dma_start3A] : memref<10000x16xf32, #tpu.memory_space<vmem_shared>> -> memref<625x16xf32, #tpu.memory_space<vmem_shared>>
      %dma_start3A_24 = arith.constant 0 : i32
      %dma_start3A_25 = tpu.memref_slice %arg4[%mul3A_2, %dma_start3A_24] : memref<10000x16xf32, #tpu.memory_space<hbm>> -> memref<625x16xf32, #tpu.memory_space<hbm>>
      tpu.enqueue_dma source(%dma_start3A_25 : memref<625x16xf32, #tpu.memory_space<hbm>>) target(%dma_start3A_23 : memref<625x16xf32, #tpu.memory_space<vmem_shared>>) target_semaphore(%run_scoped3A : memref<!tpu.dma_semaphore, #tpu.memory_space<semaphore_mem>>)
      %dma_wait3A = arith.constant 0 : i32
      %dma_wait3A_26 = tpu.memref_slice %arg8[%mul3A_4, %dma_wait3A] : memref<10000x16xf32, #tpu.memory_space<vmem_shared>> -> memref<625x16xf32, #tpu.memory_space<vmem_shared>>
      %dma_wait3A_27 = arith.constant 0 : i32
      %dma_wait3A_28 = tpu.memref_slice %arg4[%mul3A_2, %dma_wait3A_27] : memref<10000x16xf32, #tpu.memory_space<hbm>> -> memref<625x16xf32, #tpu.memory_space<hbm>>
      tpu.wait_dma2 semaphore(%run_scoped3A : memref<!tpu.dma_semaphore, #tpu.memory_space<semaphore_mem>>) src(%dma_wait3A_28 : memref<625x16xf32, #tpu.memory_space<hbm>>) dst(%dma_wait3A_26 : memref<625x16xf32, #tpu.memory_space<vmem_shared>>)
      tpu.yield
    }) : () -> ()
    %mul3A_5 = arith.constant 625 : i32
    %mul3A_6 = arith.muli %arg1, %mul3A_5 : i32
    %mul3A_7 = arith.constant 625 : i32
    %mul3A_8 = arith.muli %arg1, %mul3A_7 : i32
    "tpu.region"() ({
      %run_scoped3A = tpu.sem_alloc : memref<!tpu.dma_semaphore, #tpu.memory_space<semaphore_mem>>
      %dma_start3A = arith.constant 0 : i32
      %dma_start3A_23 = tpu.memref_slice %arg9[%mul3A_8, %dma_start3A] : memref<10000x16xf32, #tpu.memory_space<vmem_shared>> -> memref<625x16xf32, #tpu.memory_space<vmem_shared>>
      %dma_start3A_24 = arith.constant 0 : i32
      %dma_start3A_25 = tpu.memref_slice %arg4[%mul3A_6, %dma_start3A_24] : memref<10000x16xf32, #tpu.memory_space<hbm>> -> memref<625x16xf32, #tpu.memory_space<hbm>>
      tpu.enqueue_dma source(%dma_start3A_25 : memref<625x16xf32, #tpu.memory_space<hbm>>) target(%dma_start3A_23 : memref<625x16xf32, #tpu.memory_space<vmem_shared>>) target_semaphore(%run_scoped3A : memref<!tpu.dma_semaphore, #tpu.memory_space<semaphore_mem>>)
      %dma_wait3A = arith.constant 0 : i32
      %dma_wait3A_26 = tpu.memref_slice %arg9[%mul3A_8, %dma_wait3A] : memref<10000x16xf32, #tpu.memory_space<vmem_shared>> -> memref<625x16xf32, #tpu.memory_space<vmem_shared>>
      %dma_wait3A_27 = arith.constant 0 : i32
      %dma_wait3A_28 = tpu.memref_slice %arg4[%mul3A_6, %dma_wait3A_27] : memref<10000x16xf32, #tpu.memory_space<hbm>> -> memref<625x16xf32, #tpu.memory_space<hbm>>
      tpu.wait_dma2 semaphore(%run_scoped3A : memref<!tpu.dma_semaphore, #tpu.memory_space<semaphore_mem>>) src(%dma_wait3A_28 : memref<625x16xf32, #tpu.memory_space<hbm>>) dst(%dma_wait3A_26 : memref<625x16xf32, #tpu.memory_space<vmem_shared>>)
      tpu.yield
    }) : () -> ()
    %barrier3A = arith.constant 0 : index
    tpu.barrier barrier_id(%barrier3A)
    %scan3A = arith.constant 0 : i32
    %scan3A_9 = arith.constant 0 : i32
    %scan3A_10 = arith.constant 5 : i32
    %scan3A_11 = arith.addi %scan3A_9, %scan3A_10 : i32
    %scan3A_12 = arith.constant 1 : i32
    scf.for %scan3A_23 = %scan3A_9 to %scan3A_11 step %scan3A_12  : i32 {
      %mul3A_24 = arith.constant 10000 : i32
      %mul3A_25 = arith.muli %add3A, %mul3A_24 : i32
      %mul3A_26 = arith.constant 2000 : i32
      %mul3A_27 = arith.muli %scan3A_23, %mul3A_26 : i32
      %add3A_28 = arith.addi %mul3A_25, %mul3A_27 : i32
      %run_scoped3A = arith.constant 0 : i32
      "tpu.region"() ({
        %run_scoped3A_30 = tpu.sem_alloc : memref<!tpu.dma_semaphore, #tpu.memory_space<semaphore_mem>>
        %dma_start3A = tpu.memref_slice %arg3[%run_scoped3A, %add3A_28] : memref<2x320000xi32, #tpu.memory_space<hbm>> -> memref<1x2000xi32, #tpu.memory_space<hbm>>
        %dma_start3A_31 = tpu.memref_squeeze %dma_start3A : memref<1x2000xi32, #tpu.memory_space<hbm>> -> memref<2000xi32, #tpu.memory_space<hbm>>
        %dma_start3A_32 = tpu.memref_slice %arg3[%run_scoped3A, %add3A_28] : memref<2x320000xi32, #tpu.memory_space<hbm>> -> memref<1x2000xi32, #tpu.memory_space<hbm>>
        %dma_start3A_33 = tpu.memref_squeeze %dma_start3A_32 : memref<1x2000xi32, #tpu.memory_space<hbm>> -> memref<2000xi32, #tpu.memory_space<hbm>>
        tpu.enqueue_dma source(%dma_start3A_33 : memref<2000xi32, #tpu.memory_space<hbm>>) target(%arg10 : memref<2000xi32, #tpu.memory_space<vmem>>) target_semaphore(%run_scoped3A_30 : memref<!tpu.dma_semaphore, #tpu.memory_space<semaphore_mem>>)
        %dma_wait3A = tpu.memref_slice %arg3[%run_scoped3A, %add3A_28] : memref<2x320000xi32, #tpu.memory_space<hbm>> -> memref<1x2000xi32, #tpu.memory_space<hbm>>
        %dma_wait3A_34 = tpu.memref_squeeze %dma_wait3A : memref<1x2000xi32, #tpu.memory_space<hbm>> -> memref<2000xi32, #tpu.memory_space<hbm>>
        %dma_wait3A_35 = tpu.memref_slice %arg3[%run_scoped3A, %add3A_28] : memref<2x320000xi32, #tpu.memory_space<hbm>> -> memref<1x2000xi32, #tpu.memory_space<hbm>>
        %dma_wait3A_36 = tpu.memref_squeeze %dma_wait3A_35 : memref<1x2000xi32, #tpu.memory_space<hbm>> -> memref<2000xi32, #tpu.memory_space<hbm>>
        tpu.wait_dma2 semaphore(%run_scoped3A_30 : memref<!tpu.dma_semaphore, #tpu.memory_space<semaphore_mem>>) src(%dma_wait3A_36 : memref<2000xi32, #tpu.memory_space<hbm>>) dst(%arg10 : memref<2000xi32, #tpu.memory_space<vmem>>)
        tpu.yield
      }) : () -> ()
      %run_scoped3A_29 = arith.constant 1 : i32
      "tpu.region"() ({
        %run_scoped3A_30 = tpu.sem_alloc : memref<!tpu.dma_semaphore, #tpu.memory_space<semaphore_mem>>
        %dma_start3A = tpu.memref_slice %arg3[%run_scoped3A_29, %add3A_28] : memref<2x320000xi32, #tpu.memory_space<hbm>> -> memref<1x2000xi32, #tpu.memory_space<hbm>>
        %dma_start3A_31 = tpu.memref_squeeze %dma_start3A : memref<1x2000xi32, #tpu.memory_space<hbm>> -> memref<2000xi32, #tpu.memory_space<hbm>>
        %dma_start3A_32 = tpu.memref_slice %arg3[%run_scoped3A_29, %add3A_28] : memref<2x320000xi32, #tpu.memory_space<hbm>> -> memref<1x2000xi32, #tpu.memory_space<hbm>>
        %dma_start3A_33 = tpu.memref_squeeze %dma_start3A_32 : memref<1x2000xi32, #tpu.memory_space<hbm>> -> memref<2000xi32, #tpu.memory_space<hbm>>
        tpu.enqueue_dma source(%dma_start3A_33 : memref<2000xi32, #tpu.memory_space<hbm>>) target(%arg11 : memref<2000xi32, #tpu.memory_space<vmem>>) target_semaphore(%run_scoped3A_30 : memref<!tpu.dma_semaphore, #tpu.memory_space<semaphore_mem>>)
        %dma_wait3A = tpu.memref_slice %arg3[%run_scoped3A_29, %add3A_28] : memref<2x320000xi32, #tpu.memory_space<hbm>> -> memref<1x2000xi32, #tpu.memory_space<hbm>>
        %dma_wait3A_34 = tpu.memref_squeeze %dma_wait3A : memref<1x2000xi32, #tpu.memory_space<hbm>> -> memref<2000xi32, #tpu.memory_space<hbm>>
        %dma_wait3A_35 = tpu.memref_slice %arg3[%run_scoped3A_29, %add3A_28] : memref<2x320000xi32, #tpu.memory_space<hbm>> -> memref<1x2000xi32, #tpu.memory_space<hbm>>
        %dma_wait3A_36 = tpu.memref_squeeze %dma_wait3A_35 : memref<1x2000xi32, #tpu.memory_space<hbm>> -> memref<2000xi32, #tpu.memory_space<hbm>>
        tpu.wait_dma2 semaphore(%run_scoped3A_30 : memref<!tpu.dma_semaphore, #tpu.memory_space<semaphore_mem>>) src(%dma_wait3A_36 : memref<2000xi32, #tpu.memory_space<hbm>>) dst(%arg11 : memref<2000xi32, #tpu.memory_space<vmem>>)
        tpu.yield
      }) : () -> ()
      "tpu.region"() ({
        %run_scoped3A_30 = tpu.sem_alloc : memref<!tpu.dma_semaphore, #tpu.memory_space<semaphore_mem>>
        %dma_start3A = arith.constant 0 : i32
        %dma_start3A_31 = tpu.memref_slice %arg2[%add3A_28, %dma_start3A] : memref<320000x16xf32, #tpu.memory_space<hbm>> -> memref<2000x16xf32, #tpu.memory_space<hbm>>
        %dma_start3A_32 = arith.constant 0 : i32
        %dma_start3A_33 = tpu.memref_slice %arg2[%add3A_28, %dma_start3A_32] : memref<320000x16xf32, #tpu.memory_space<hbm>> -> memref<2000x16xf32, #tpu.memory_space<hbm>>
        tpu.enqueue_dma source(%dma_start3A_33 : memref<2000x16xf32, #tpu.memory_space<hbm>>) target(%arg12 : memref<2000x16xf32, #tpu.memory_space<vmem>>) target_semaphore(%run_scoped3A_30 : memref<!tpu.dma_semaphore, #tpu.memory_space<semaphore_mem>>)
        %dma_wait3A = arith.constant 0 : i32
        %dma_wait3A_34 = tpu.memref_slice %arg2[%add3A_28, %dma_wait3A] : memref<320000x16xf32, #tpu.memory_space<hbm>> -> memref<2000x16xf32, #tpu.memory_space<hbm>>
        %dma_wait3A_35 = arith.constant 0 : i32
        %dma_wait3A_36 = tpu.memref_slice %arg2[%add3A_28, %dma_wait3A_35] : memref<320000x16xf32, #tpu.memory_space<hbm>> -> memref<2000x16xf32, #tpu.memory_space<hbm>>
        tpu.wait_dma2 semaphore(%run_scoped3A_30 : memref<!tpu.dma_semaphore, #tpu.memory_space<semaphore_mem>>) src(%dma_wait3A_36 : memref<2000x16xf32, #tpu.memory_space<hbm>>) dst(%arg12 : memref<2000x16xf32, #tpu.memory_space<vmem>>)
        tpu.yield
      }) : () -> ()
      "tpu.region"() ({
        %run_scoped3A_30 = tpu.sem_alloc : memref<!tpu.dma_semaphore, #tpu.memory_space<semaphore_mem>>
        %dma_start3A = arith.constant 0 : i32
        %dma_start3A_31 = arith.constant 0 : i32
        %dma_start3A_32 = tpu.memref_slice %arg8[%dma_start3A, %dma_start3A_31] : memref<10000x16xf32, #tpu.memory_space<vmem_shared>> -> memref<10000x16xf32, #tpu.memory_space<vmem_shared>>
        tpu.enqueue_indirect_dma source(%arg12 : memref<2000x16xf32, #tpu.memory_space<vmem>>) target(%dma_start3A_32 : memref<10000x16xf32, #tpu.memory_space<vmem_shared>>) offsets(%arg10 : memref<2000xi32, #tpu.memory_space<vmem>>) semaphore(%run_scoped3A_30 : memref<!tpu.dma_semaphore, #tpu.memory_space<semaphore_mem>>) {add = true}
        %dma_wait3A = arith.constant 0 : i32
        %dma_wait3A_33 = arith.constant 0 : i32
        %dma_wait3A_34 = tpu.memref_slice %arg8[%dma_wait3A, %dma_wait3A_33] : memref<10000x16xf32, #tpu.memory_space<vmem_shared>> -> memref<10000x16xf32, #tpu.memory_space<vmem_shared>>
        tpu.wait_indirect_dma semaphore(%run_scoped3A_30 : memref<!tpu.dma_semaphore, #tpu.memory_space<semaphore_mem>>) src(%arg12 : memref<2000x16xf32, #tpu.memory_space<vmem>>) dst(%dma_wait3A_34 : memref<10000x16xf32, #tpu.memory_space<vmem_shared>>)
        tpu.yield
      }) : () -> ()
      "tpu.region"() ({
        %run_scoped3A_30 = tpu.sem_alloc : memref<!tpu.dma_semaphore, #tpu.memory_space<semaphore_mem>>
        %dma_start3A = arith.constant 0 : i32
        %dma_start3A_31 = arith.constant 0 : i32
        %dma_start3A_32 = tpu.memref_slice %arg8[%dma_start3A, %dma_start3A_31] : memref<10000x16xf32, #tpu.memory_space<vmem_shared>> -> memref<10000x16xf32, #tpu.memory_space<vmem_shared>>
        tpu.enqueue_indirect_dma source(%arg12 : memref<2000x16xf32, #tpu.memory_space<vmem>>) target(%dma_start3A_32 : memref<10000x16xf32, #tpu.memory_space<vmem_shared>>) offsets(%arg11 : memref<2000xi32, #tpu.memory_space<vmem>>) semaphore(%run_scoped3A_30 : memref<!tpu.dma_semaphore, #tpu.memory_space<semaphore_mem>>) {add = true}
        %dma_wait3A = arith.constant 0 : i32
        %dma_wait3A_33 = arith.constant 0 : i32
        %dma_wait3A_34 = tpu.memref_slice %arg8[%dma_wait3A, %dma_wait3A_33] : memref<10000x16xf32, #tpu.memory_space<vmem_shared>> -> memref<10000x16xf32, #tpu.memory_space<vmem_shared>>
        tpu.wait_indirect_dma semaphore(%run_scoped3A_30 : memref<!tpu.dma_semaphore, #tpu.memory_space<semaphore_mem>>) src(%arg12 : memref<2000x16xf32, #tpu.memory_space<vmem>>) dst(%dma_wait3A_34 : memref<10000x16xf32, #tpu.memory_space<vmem_shared>>)
        tpu.yield
      }) : () -> ()
      "tpu.region"() ({
        %run_scoped3A_30 = tpu.sem_alloc : memref<!tpu.dma_semaphore, #tpu.memory_space<semaphore_mem>>
        %dma_start3A = arith.constant 0 : i32
        %dma_start3A_31 = arith.constant 0 : i32
        %dma_start3A_32 = tpu.memref_slice %arg9[%dma_start3A, %dma_start3A_31] : memref<10000x16xf32, #tpu.memory_space<vmem_shared>> -> memref<10000x16xf32, #tpu.memory_space<vmem_shared>>
        tpu.enqueue_indirect_dma source(%arg13 : memref<2000x16xf32, #tpu.memory_space<vmem>>) target(%dma_start3A_32 : memref<10000x16xf32, #tpu.memory_space<vmem_shared>>) offsets(%arg10 : memref<2000xi32, #tpu.memory_space<vmem>>) semaphore(%run_scoped3A_30 : memref<!tpu.dma_semaphore, #tpu.memory_space<semaphore_mem>>) {add = true}
        %dma_wait3A = arith.constant 0 : i32
        %dma_wait3A_33 = arith.constant 0 : i32
        %dma_wait3A_34 = tpu.memref_slice %arg9[%dma_wait3A, %dma_wait3A_33] : memref<10000x16xf32, #tpu.memory_space<vmem_shared>> -> memref<10000x16xf32, #tpu.memory_space<vmem_shared>>
        tpu.wait_indirect_dma semaphore(%run_scoped3A_30 : memref<!tpu.dma_semaphore, #tpu.memory_space<semaphore_mem>>) src(%arg13 : memref<2000x16xf32, #tpu.memory_space<vmem>>) dst(%dma_wait3A_34 : memref<10000x16xf32, #tpu.memory_space<vmem_shared>>)
        tpu.yield
      }) : () -> ()
      "tpu.region"() ({
        %run_scoped3A_30 = tpu.sem_alloc : memref<!tpu.dma_semaphore, #tpu.memory_space<semaphore_mem>>
        %dma_start3A = arith.constant 0 : i32
        %dma_start3A_31 = arith.constant 0 : i32
        %dma_start3A_32 = tpu.memref_slice %arg9[%dma_start3A, %dma_start3A_31] : memref<10000x16xf32, #tpu.memory_space<vmem_shared>> -> memref<10000x16xf32, #tpu.memory_space<vmem_shared>>
        tpu.enqueue_indirect_dma source(%arg13 : memref<2000x16xf32, #tpu.memory_space<vmem>>) target(%dma_start3A_32 : memref<10000x16xf32, #tpu.memory_space<vmem_shared>>) offsets(%arg11 : memref<2000xi32, #tpu.memory_space<vmem>>) semaphore(%run_scoped3A_30 : memref<!tpu.dma_semaphore, #tpu.memory_space<semaphore_mem>>) {add = true}
        %dma_wait3A = arith.constant 0 : i32
        %dma_wait3A_33 = arith.constant 0 : i32
        %dma_wait3A_34 = tpu.memref_slice %arg9[%dma_wait3A, %dma_wait3A_33] : memref<10000x16xf32, #tpu.memory_space<vmem_shared>> -> memref<10000x16xf32, #tpu.memory_space<vmem_shared>>
        tpu.wait_indirect_dma semaphore(%run_scoped3A_30 : memref<!tpu.dma_semaphore, #tpu.memory_space<semaphore_mem>>) src(%arg13 : memref<2000x16xf32, #tpu.memory_space<vmem>>) dst(%dma_wait3A_34 : memref<10000x16xf32, #tpu.memory_space<vmem_shared>>)
        tpu.yield
      }) : () -> ()
    }
    %scan3A_13 = arith.constant 5 : i32
    %barrier3A_14 = arith.constant 0 : index
    tpu.barrier barrier_id(%barrier3A_14)
    %mul3A_15 = arith.constant 625 : i32
    %mul3A_16 = arith.muli %arg1, %mul3A_15 : i32
    %mul3A_17 = arith.constant 625 : i32
    %mul3A_18 = arith.muli %arg1, %mul3A_17 : i32
    "tpu.region"() ({
      %run_scoped3A = tpu.sem_alloc : memref<!tpu.dma_semaphore, #tpu.memory_space<semaphore_mem>>
      %dma_start3A = arith.constant 0 : i32
      %dma_start3A_23 = tpu.memref_slice %arg6[%arg0, %mul3A_18, %dma_start3A] : memref<2x10000x16xf32, #tpu.memory_space<hbm>> -> memref<1x625x16xf32, #tpu.memory_space<hbm>>
      %dma_start3A_24 = tpu.memref_squeeze %dma_start3A_23 : memref<1x625x16xf32, #tpu.memory_space<hbm>> -> memref<625x16xf32, #tpu.memory_space<hbm>>
      %dma_start3A_25 = arith.constant 0 : i32
      %dma_start3A_26 = tpu.memref_slice %arg8[%mul3A_16, %dma_start3A_25] : memref<10000x16xf32, #tpu.memory_space<vmem_shared>> -> memref<625x16xf32, #tpu.memory_space<vmem_shared>>
      tpu.enqueue_dma source(%dma_start3A_26 : memref<625x16xf32, #tpu.memory_space<vmem_shared>>) target(%dma_start3A_24 : memref<625x16xf32, #tpu.memory_space<hbm>>) target_semaphore(%run_scoped3A : memref<!tpu.dma_semaphore, #tpu.memory_space<semaphore_mem>>)
      %dma_wait3A = arith.constant 0 : i32
      %dma_wait3A_27 = tpu.memref_slice %arg6[%arg0, %mul3A_18, %dma_wait3A] : memref<2x10000x16xf32, #tpu.memory_space<hbm>> -> memref<1x625x16xf32, #tpu.memory_space<hbm>>
      %dma_wait3A_28 = tpu.memref_squeeze %dma_wait3A_27 : memref<1x625x16xf32, #tpu.memory_space<hbm>> -> memref<625x16xf32, #tpu.memory_space<hbm>>
      %dma_wait3A_29 = arith.constant 0 : i32
      %dma_wait3A_30 = tpu.memref_slice %arg8[%mul3A_16, %dma_wait3A_29] : memref<10000x16xf32, #tpu.memory_space<vmem_shared>> -> memref<625x16xf32, #tpu.memory_space<vmem_shared>>
      tpu.wait_dma2 semaphore(%run_scoped3A : memref<!tpu.dma_semaphore, #tpu.memory_space<semaphore_mem>>) src(%dma_wait3A_30 : memref<625x16xf32, #tpu.memory_space<vmem_shared>>) dst(%dma_wait3A_28 : memref<625x16xf32, #tpu.memory_space<hbm>>)
      tpu.yield
    }) : () -> ()
    %mul3A_19 = arith.constant 625 : i32
    %mul3A_20 = arith.muli %arg1, %mul3A_19 : i32
    %mul3A_21 = arith.constant 625 : i32
    %mul3A_22 = arith.muli %arg1, %mul3A_21 : i32
    "tpu.region"() ({
      %run_scoped3A = tpu.sem_alloc : memref<!tpu.dma_semaphore, #tpu.memory_space<semaphore_mem>>
      %dma_start3A = arith.constant 0 : i32
      %dma_start3A_23 = tpu.memref_slice %arg7[%arg0, %mul3A_22, %dma_start3A] : memref<2x10000x16xf32, #tpu.memory_space<hbm>> -> memref<1x625x16xf32, #tpu.memory_space<hbm>>
      %dma_start3A_24 = tpu.memref_squeeze %dma_start3A_23 : memref<1x625x16xf32, #tpu.memory_space<hbm>> -> memref<625x16xf32, #tpu.memory_space<hbm>>
      %dma_start3A_25 = arith.constant 0 : i32
      %dma_start3A_26 = tpu.memref_slice %arg9[%mul3A_20, %dma_start3A_25] : memref<10000x16xf32, #tpu.memory_space<vmem_shared>> -> memref<625x16xf32, #tpu.memory_space<vmem_shared>>
      tpu.enqueue_dma source(%dma_start3A_26 : memref<625x16xf32, #tpu.memory_space<vmem_shared>>) target(%dma_start3A_24 : memref<625x16xf32, #tpu.memory_space<hbm>>) target_semaphore(%run_scoped3A : memref<!tpu.dma_semaphore, #tpu.memory_space<semaphore_mem>>)
      %dma_wait3A = arith.constant 0 : i32
      %dma_wait3A_27 = tpu.memref_slice %arg7[%arg0, %mul3A_22, %dma_wait3A] : memref<2x10000x16xf32, #tpu.memory_space<hbm>> -> memref<1x625x16xf32, #tpu.memory_space<hbm>>
      %dma_wait3A_28 = tpu.memref_squeeze %dma_wait3A_27 : memref<1x625x16xf32, #tpu.memory_space<hbm>> -> memref<625x16xf32, #tpu.memory_space<hbm>>
      %dma_wait3A_29 = arith.constant 0 : i32
      %dma_wait3A_30 = tpu.memref_slice %arg9[%mul3A_20, %dma_wait3A_29] : memref<10000x16xf32, #tpu.memory_space<vmem_shared>> -> memref<625x16xf32, #tpu.memory_space<vmem_shared>>
      tpu.wait_dma2 semaphore(%run_scoped3A : memref<!tpu.dma_semaphore, #tpu.memory_space<semaphore_mem>>) src(%dma_wait3A_30 : memref<625x16xf32, #tpu.memory_space<vmem_shared>>) dst(%dma_wait3A_28 : memref<625x16xf32, #tpu.memory_space<hbm>>)
      tpu.yield
    }) : () -> ()
    return
  }
}

#map = affine_map<(d0, d1) -> (0, 0)>
module attributes {stable_mosaic.version = 14 : i64} {
  func.func @k(%arg0: i32, %arg1: i32, %arg2: memref<10000x16xf32, #tpu.memory_space<hbm>>, %arg3: memref<10000x16xf32, #tpu.memory_space<hbm>>, %arg4: memref<2x320000xi32, #tpu.memory_space<hbm>>, %arg5: memref<40000x128xf32, #tpu.memory_space<hbm>>, %arg6: memref<10000x16xf32, #tpu.memory_space<vmem_shared>>, %arg7: memref<10000x16xf32, #tpu.memory_space<vmem_shared>>, %arg8: memref<2000xi32, #tpu.memory_space<vmem>>, %arg9: memref<2000xi32, #tpu.memory_space<vmem>>, %arg10: memref<2000x16xf32, #tpu.memory_space<vmem>>, %arg11: memref<2000x16xf32, #tpu.memory_space<vmem>>, %arg12: memref<250x128xf32, #tpu.memory_space<vmem>>) attributes {dimension_semantics = [#tpu.dimension_semantics<core_parallel>, #tpu.dimension_semantics<subcore_parallel>], iteration_bounds = array<i64: 2, 16>, scalar_prefetch = 0 : i64, scratch_operands = 7 : i64, tpu.core_type = #tpu.core_type<sc_vector_subcore>, window_params = [{transform_indices = #map}, {transform_indices = #map}, {transform_indices = #map}, {transform_indices = #map}]} {
    %mul3A = arith.constant 16 : i32
    %mul3A_0 = arith.muli %arg0, %mul3A : i32
    %add3A = arith.addi %mul3A_0, %arg1 : i32
    %eq3A = arith.constant 0 : i32
    %eq3A_1 = arith.cmpi eq, %arg1, %eq3A : i32
    %convert_element_type3A = arith.extui %eq3A_1 : i1 to i32
    %cond3A = arith.constant 0 : i32
    %cond3A_2 = arith.cmpi ne, %convert_element_type3A, %cond3A : i32
    scf.if %cond3A_2 {
      "tpu.region"() ({
        %run_scoped3A = tpu.sem_alloc : memref<!tpu.dma_semaphore, #tpu.memory_space<semaphore_mem>>
        tpu.enqueue_dma source(%arg2 : memref<10000x16xf32, #tpu.memory_space<hbm>>) target(%arg6 : memref<10000x16xf32, #tpu.memory_space<vmem_shared>>) target_semaphore(%run_scoped3A : memref<!tpu.dma_semaphore, #tpu.memory_space<semaphore_mem>>)
        tpu.wait_dma2 semaphore(%run_scoped3A : memref<!tpu.dma_semaphore, #tpu.memory_space<semaphore_mem>>) src(%arg2 : memref<10000x16xf32, #tpu.memory_space<hbm>>) dst(%arg6 : memref<10000x16xf32, #tpu.memory_space<vmem_shared>>)
        tpu.yield
      }) : () -> ()
      "tpu.region"() ({
        %run_scoped3A = tpu.sem_alloc : memref<!tpu.dma_semaphore, #tpu.memory_space<semaphore_mem>>
        tpu.enqueue_dma source(%arg3 : memref<10000x16xf32, #tpu.memory_space<hbm>>) target(%arg7 : memref<10000x16xf32, #tpu.memory_space<vmem_shared>>) target_semaphore(%run_scoped3A : memref<!tpu.dma_semaphore, #tpu.memory_space<semaphore_mem>>)
        tpu.wait_dma2 semaphore(%run_scoped3A : memref<!tpu.dma_semaphore, #tpu.memory_space<semaphore_mem>>) src(%arg3 : memref<10000x16xf32, #tpu.memory_space<hbm>>) dst(%arg7 : memref<10000x16xf32, #tpu.memory_space<vmem_shared>>)
        tpu.yield
      }) : () -> ()
    } else {
    }
    %barrier3A = arith.constant 0 : index
    tpu.barrier barrier_id(%barrier3A)
    %scan3A = arith.constant 0 : i32
    %scan3A_3 = arith.constant 0 : i32
    %scan3A_4 = arith.constant 5 : i32
    %scan3A_5 = arith.addi %scan3A_3, %scan3A_4 : i32
    %scan3A_6 = arith.constant 1 : i32
    scf.for %scan3A_8 = %scan3A_3 to %scan3A_5 step %scan3A_6  : i32 {
      %mul3A_9 = arith.constant 10000 : i32
      %mul3A_10 = arith.muli %add3A, %mul3A_9 : i32
      %mul3A_11 = arith.constant 2000 : i32
      %mul3A_12 = arith.muli %scan3A_8, %mul3A_11 : i32
      %add3A_13 = arith.addi %mul3A_10, %mul3A_12 : i32
      %jit3A = arith.constant 8 : i32
      %div3A = arith.divsi %add3A_13, %jit3A : i32
      %sign3A = arith.constant 0 : i32
      %sign3A_14 = arith.cmpi sgt, %add3A_13, %sign3A : i32
      %sign3A_15 = arith.extui %sign3A_14 : i1 to i32
      %sign3A_16 = arith.constant 0 : i32
      %sign3A_17 = arith.cmpi slt, %add3A_13, %sign3A_16 : i32
      %sign3A_18 = arith.extui %sign3A_17 : i1 to i32
      %sign3A_19 = arith.subi %sign3A_15, %sign3A_18 : i32
      %sign3A_20 = arith.constant 0 : i32
      %sign3A_21 = arith.cmpi sgt, %jit3A, %sign3A_20 : i32
      %sign3A_22 = arith.extui %sign3A_21 : i1 to i32
      %sign3A_23 = arith.constant 0 : i32
      %sign3A_24 = arith.cmpi slt, %jit3A, %sign3A_23 : i32
      %sign3A_25 = arith.extui %sign3A_24 : i1 to i32
      %sign3A_26 = arith.subi %sign3A_22, %sign3A_25 : i32
      %ne3A = arith.cmpi ne, %sign3A_19, %sign3A_26 : i32
      %rem3A = arith.remsi %add3A_13, %jit3A : i32
      %ne3A_27 = arith.constant 0 : i32
      %ne3A_28 = arith.cmpi ne, %rem3A, %ne3A_27 : i32
      %and3A = arith.andi %ne3A, %ne3A_28 : i1
      %sub3A = arith.constant 1 : i32
      %sub3A_29 = arith.subi %div3A, %sub3A : i32
      %select_n3A = arith.select %and3A, %sub3A_29, %div3A : i32
      %run_scoped3A = arith.constant 0 : i32
      "tpu.region"() ({
        %run_scoped3A_37 = tpu.sem_alloc : memref<!tpu.dma_semaphore, #tpu.memory_space<semaphore_mem>>
        %dma_start3A = tpu.memref_slice %arg4[%run_scoped3A, %add3A_13] : memref<2x320000xi32, #tpu.memory_space<hbm>> -> memref<1x2000xi32, #tpu.memory_space<hbm>>
        %dma_start3A_38 = tpu.memref_squeeze %dma_start3A : memref<1x2000xi32, #tpu.memory_space<hbm>> -> memref<2000xi32, #tpu.memory_space<hbm>>
        %dma_start3A_39 = tpu.memref_slice %arg4[%run_scoped3A, %add3A_13] : memref<2x320000xi32, #tpu.memory_space<hbm>> -> memref<1x2000xi32, #tpu.memory_space<hbm>>
        %dma_start3A_40 = tpu.memref_squeeze %dma_start3A_39 : memref<1x2000xi32, #tpu.memory_space<hbm>> -> memref<2000xi32, #tpu.memory_space<hbm>>
        tpu.enqueue_dma source(%dma_start3A_40 : memref<2000xi32, #tpu.memory_space<hbm>>) target(%arg8 : memref<2000xi32, #tpu.memory_space<vmem>>) target_semaphore(%run_scoped3A_37 : memref<!tpu.dma_semaphore, #tpu.memory_space<semaphore_mem>>)
        %dma_wait3A = tpu.memref_slice %arg4[%run_scoped3A, %add3A_13] : memref<2x320000xi32, #tpu.memory_space<hbm>> -> memref<1x2000xi32, #tpu.memory_space<hbm>>
        %dma_wait3A_41 = tpu.memref_squeeze %dma_wait3A : memref<1x2000xi32, #tpu.memory_space<hbm>> -> memref<2000xi32, #tpu.memory_space<hbm>>
        %dma_wait3A_42 = tpu.memref_slice %arg4[%run_scoped3A, %add3A_13] : memref<2x320000xi32, #tpu.memory_space<hbm>> -> memref<1x2000xi32, #tpu.memory_space<hbm>>
        %dma_wait3A_43 = tpu.memref_squeeze %dma_wait3A_42 : memref<1x2000xi32, #tpu.memory_space<hbm>> -> memref<2000xi32, #tpu.memory_space<hbm>>
        tpu.wait_dma2 semaphore(%run_scoped3A_37 : memref<!tpu.dma_semaphore, #tpu.memory_space<semaphore_mem>>) src(%dma_wait3A_43 : memref<2000xi32, #tpu.memory_space<hbm>>) dst(%arg8 : memref<2000xi32, #tpu.memory_space<vmem>>)
        tpu.yield
      }) : () -> ()
      %run_scoped3A_30 = arith.constant 1 : i32
      "tpu.region"() ({
        %run_scoped3A_37 = tpu.sem_alloc : memref<!tpu.dma_semaphore, #tpu.memory_space<semaphore_mem>>
        %dma_start3A = tpu.memref_slice %arg4[%run_scoped3A_30, %add3A_13] : memref<2x320000xi32, #tpu.memory_space<hbm>> -> memref<1x2000xi32, #tpu.memory_space<hbm>>
        %dma_start3A_38 = tpu.memref_squeeze %dma_start3A : memref<1x2000xi32, #tpu.memory_space<hbm>> -> memref<2000xi32, #tpu.memory_space<hbm>>
        %dma_start3A_39 = tpu.memref_slice %arg4[%run_scoped3A_30, %add3A_13] : memref<2x320000xi32, #tpu.memory_space<hbm>> -> memref<1x2000xi32, #tpu.memory_space<hbm>>
        %dma_start3A_40 = tpu.memref_squeeze %dma_start3A_39 : memref<1x2000xi32, #tpu.memory_space<hbm>> -> memref<2000xi32, #tpu.memory_space<hbm>>
        tpu.enqueue_dma source(%dma_start3A_40 : memref<2000xi32, #tpu.memory_space<hbm>>) target(%arg9 : memref<2000xi32, #tpu.memory_space<vmem>>) target_semaphore(%run_scoped3A_37 : memref<!tpu.dma_semaphore, #tpu.memory_space<semaphore_mem>>)
        %dma_wait3A = tpu.memref_slice %arg4[%run_scoped3A_30, %add3A_13] : memref<2x320000xi32, #tpu.memory_space<hbm>> -> memref<1x2000xi32, #tpu.memory_space<hbm>>
        %dma_wait3A_41 = tpu.memref_squeeze %dma_wait3A : memref<1x2000xi32, #tpu.memory_space<hbm>> -> memref<2000xi32, #tpu.memory_space<hbm>>
        %dma_wait3A_42 = tpu.memref_slice %arg4[%run_scoped3A_30, %add3A_13] : memref<2x320000xi32, #tpu.memory_space<hbm>> -> memref<1x2000xi32, #tpu.memory_space<hbm>>
        %dma_wait3A_43 = tpu.memref_squeeze %dma_wait3A_42 : memref<1x2000xi32, #tpu.memory_space<hbm>> -> memref<2000xi32, #tpu.memory_space<hbm>>
        tpu.wait_dma2 semaphore(%run_scoped3A_37 : memref<!tpu.dma_semaphore, #tpu.memory_space<semaphore_mem>>) src(%dma_wait3A_43 : memref<2000xi32, #tpu.memory_space<hbm>>) dst(%arg9 : memref<2000xi32, #tpu.memory_space<vmem>>)
        tpu.yield
      }) : () -> ()
      "tpu.region"() ({
        %run_scoped3A_37 = tpu.sem_alloc : memref<!tpu.dma_semaphore, #tpu.memory_space<semaphore_mem>>
        %dma_start3A = arith.constant 0 : i32
        %dma_start3A_38 = arith.constant 0 : i32
        %dma_start3A_39 = tpu.memref_slice %arg6[%dma_start3A, %dma_start3A_38] : memref<10000x16xf32, #tpu.memory_space<vmem_shared>> -> memref<10000x16xf32, #tpu.memory_space<vmem_shared>>
        tpu.enqueue_indirect_dma source(%dma_start3A_39 : memref<10000x16xf32, #tpu.memory_space<vmem_shared>>) target(%arg10 : memref<2000x16xf32, #tpu.memory_space<vmem>>) offsets(%arg8 : memref<2000xi32, #tpu.memory_space<vmem>>) semaphore(%run_scoped3A_37 : memref<!tpu.dma_semaphore, #tpu.memory_space<semaphore_mem>>)
        %dma_wait3A = arith.constant 0 : i32
        %dma_wait3A_40 = arith.constant 0 : i32
        %dma_wait3A_41 = tpu.memref_slice %arg6[%dma_wait3A, %dma_wait3A_40] : memref<10000x16xf32, #tpu.memory_space<vmem_shared>> -> memref<10000x16xf32, #tpu.memory_space<vmem_shared>>
        tpu.wait_indirect_dma semaphore(%run_scoped3A_37 : memref<!tpu.dma_semaphore, #tpu.memory_space<semaphore_mem>>) src(%dma_wait3A_41 : memref<10000x16xf32, #tpu.memory_space<vmem_shared>>) dst(%arg10 : memref<2000x16xf32, #tpu.memory_space<vmem>>)
        tpu.yield
      }) : () -> ()
      "tpu.region"() ({
        %run_scoped3A_37 = tpu.sem_alloc : memref<!tpu.dma_semaphore, #tpu.memory_space<semaphore_mem>>
        %dma_start3A = arith.constant 0 : i32
        %dma_start3A_38 = arith.constant 0 : i32
        %dma_start3A_39 = tpu.memref_slice %arg7[%dma_start3A, %dma_start3A_38] : memref<10000x16xf32, #tpu.memory_space<vmem_shared>> -> memref<10000x16xf32, #tpu.memory_space<vmem_shared>>
        tpu.enqueue_indirect_dma source(%dma_start3A_39 : memref<10000x16xf32, #tpu.memory_space<vmem_shared>>) target(%arg11 : memref<2000x16xf32, #tpu.memory_space<vmem>>) offsets(%arg9 : memref<2000xi32, #tpu.memory_space<vmem>>) semaphore(%run_scoped3A_37 : memref<!tpu.dma_semaphore, #tpu.memory_space<semaphore_mem>>)
        %dma_wait3A = arith.constant 0 : i32
        %dma_wait3A_40 = arith.constant 0 : i32
        %dma_wait3A_41 = tpu.memref_slice %arg7[%dma_wait3A, %dma_wait3A_40] : memref<10000x16xf32, #tpu.memory_space<vmem_shared>> -> memref<10000x16xf32, #tpu.memory_space<vmem_shared>>
        tpu.wait_indirect_dma semaphore(%run_scoped3A_37 : memref<!tpu.dma_semaphore, #tpu.memory_space<semaphore_mem>>) src(%dma_wait3A_41 : memref<10000x16xf32, #tpu.memory_space<vmem_shared>>) dst(%arg11 : memref<2000x16xf32, #tpu.memory_space<vmem>>)
        tpu.yield
      }) : () -> ()
      %scan3A_31 = arith.constant 0 : i32
      %scan3A_32 = arith.constant 0 : i32
      %scan3A_33 = arith.constant 2000 : i32
      %scan3A_34 = arith.addi %scan3A_32, %scan3A_33 : i32
      %scan3A_35 = arith.constant 8 : i32
      scf.for %scan3A_37 = %scan3A_32 to %scan3A_34 step %scan3A_35  : i32 {
        %get3A = arith.index_cast %scan3A_37 : i32 to index
        %get3A_38 = arith.constant 0 : index
        %get3A_39 = tpu.vector_load %arg10[%get3A, %get3A_38] {strides = array<i32>} : memref<2000x16xf32, #tpu.memory_space<vmem>>, vector<1x16xf32>,
        %get3A_40 = vector.shape_cast %get3A_39 : vector<1x16xf32> to vector<16xf32>
        %get3A_41 = arith.index_cast %scan3A_37 : i32 to index
        %get3A_42 = arith.constant 0 : index
        %get3A_43 = tpu.vector_load %arg11[%get3A_41, %get3A_42] {strides = array<i32>} : memref<2000x16xf32, #tpu.memory_space<vmem>>, vector<1x16xf32>,
        %get3A_44 = vector.shape_cast %get3A_43 : vector<1x16xf32> to vector<16xf32>
        %add3A_45 = arith.addf %get3A_40, %get3A_44 : vector<16xf32>
        %jit3A_46 = arith.constant 8 : i32
        %div3A_47 = arith.divsi %scan3A_37, %jit3A_46 : i32
        %sign3A_48 = arith.constant 0 : i32
        %sign3A_49 = arith.cmpi sgt, %scan3A_37, %sign3A_48 : i32
        %sign3A_50 = arith.extui %sign3A_49 : i1 to i32
        %sign3A_51 = arith.constant 0 : i32
        %sign3A_52 = arith.cmpi slt, %scan3A_37, %sign3A_51 : i32
        %sign3A_53 = arith.extui %sign3A_52 : i1 to i32
        %sign3A_54 = arith.subi %sign3A_50, %sign3A_53 : i32
        %sign3A_55 = arith.constant 0 : i32
        %sign3A_56 = arith.cmpi sgt, %jit3A_46, %sign3A_55 : i32
        %sign3A_57 = arith.extui %sign3A_56 : i1 to i32
        %sign3A_58 = arith.constant 0 : i32
        %sign3A_59 = arith.cmpi slt, %jit3A_46, %sign3A_58 : i32
        %sign3A_60 = arith.extui %sign3A_59 : i1 to i32
        %sign3A_61 = arith.subi %sign3A_57, %sign3A_60 : i32
        %ne3A_62 = arith.cmpi ne, %sign3A_54, %sign3A_61 : i32
        %rem3A_63 = arith.remsi %scan3A_37, %jit3A_46 : i32
        %ne3A_64 = arith.constant 0 : i32
        %ne3A_65 = arith.cmpi ne, %rem3A_63, %ne3A_64 : i32
        %and3A_66 = arith.andi %ne3A_62, %ne3A_65 : i1
        %sub3A_67 = arith.constant 1 : i32
        %sub3A_68 = arith.subi %div3A_47, %sub3A_67 : i32
        %select_n3A_69 = arith.select %and3A_66, %sub3A_68, %div3A_47 : i32
        %jit3A_70 = arith.constant 8 : i32
        %eq3A_71 = arith.constant 0 : i32
        %eq3A_72 = arith.cmpi eq, %jit3A_70, %eq3A_71 : i32
        %jit3A_73 = arith.constant 1 : i32
        %select_n3A_74 = arith.select %eq3A_72, %jit3A_73, %jit3A_70 : i32
        %rem3A_75 = arith.remsi %scan3A_37, %select_n3A_74 : i32
        %ne3A_76 = arith.constant 0 : i32
        %ne3A_77 = arith.cmpi ne, %rem3A_75, %ne3A_76 : i32
        %lt3A = arith.constant 0 : i32
        %lt3A_78 = arith.cmpi slt, %rem3A_75, %lt3A : i32
        %lt3A_79 = arith.constant 0 : i32
        %lt3A_80 = arith.cmpi slt, %select_n3A_74, %lt3A_79 : i32
        %ne3A_81 = arith.xori %lt3A_78, %lt3A_80 : i1
        %and3A_82 = arith.andi %ne3A_81, %ne3A_77 : i1
        %add3A_83 = arith.addi %rem3A_75, %select_n3A_74 : i32
        %select_n3A_84 = arith.select %and3A_82, %add3A_83, %rem3A_75 : i32
        %mul3A_85 = arith.constant 16 : i32
        %mul3A_86 = arith.muli %select_n3A_84, %mul3A_85 : i32
        %swap3A = arith.index_cast %select_n3A_69 : i32 to index
        %swap3A_87 = arith.index_cast %mul3A_86 : i32 to index
        %swap3A_88 = tpu.vector_load %arg12[%swap3A, %swap3A_87] {strides = array<i32>} : memref<250x128xf32, #tpu.memory_space<vmem>>, vector<1x16xf32>,
        %swap3A_89 = vector.shape_cast %swap3A_88 : vector<1x16xf32> to vector<16xf32>
        %swap3A_90 = vector.shape_cast %add3A_45 : vector<16xf32> to vector<1x16xf32>
        tpu.vector_store %arg12[%swap3A, %swap3A_87], %swap3A_90 {strides = array<i32>} : memref<250x128xf32, #tpu.memory_space<vmem>>, vector<1x16xf32>,
        %scan3A_91 = arith.constant 1 : i32
        %scan3A_92 = arith.addi %scan3A_37, %scan3A_91 : i32
        %get3A_93 = arith.index_cast %scan3A_92 : i32 to index
        %get3A_94 = arith.constant 0 : index
        %get3A_95 = tpu.vector_load %arg10[%get3A_93, %get3A_94] {strides = array<i32>} : memref<2000x16xf32, #tpu.memory_space<vmem>>, vector<1x16xf32>,
        %get3A_96 = vector.shape_cast %get3A_95 : vector<1x16xf32> to vector<16xf32>
        %get3A_97 = arith.index_cast %scan3A_92 : i32 to index
        %get3A_98 = arith.constant 0 : index
        %get3A_99 = tpu.vector_load %arg11[%get3A_97, %get3A_98] {strides = array<i32>} : memref<2000x16xf32, #tpu.memory_space<vmem>>, vector<1x16xf32>,
        %get3A_100 = vector.shape_cast %get3A_99 : vector<1x16xf32> to vector<16xf32>
        %add3A_101 = arith.addf %get3A_96, %get3A_100 : vector<16xf32>
        %jit3A_102 = arith.constant 8 : i32
        %div3A_103 = arith.divsi %scan3A_92, %jit3A_102 : i32
        %sign3A_104 = arith.constant 0 : i32
        %sign3A_105 = arith.cmpi sgt, %scan3A_92, %sign3A_104 : i32
        %sign3A_106 = arith.extui %sign3A_105 : i1 to i32
        %sign3A_107 = arith.constant 0 : i32
        %sign3A_108 = arith.cmpi slt, %scan3A_92, %sign3A_107 : i32
        %sign3A_109 = arith.extui %sign3A_108 : i1 to i32
        %sign3A_110 = arith.subi %sign3A_106, %sign3A_109 : i32
        %sign3A_111 = arith.constant 0 : i32
        %sign3A_112 = arith.cmpi sgt, %jit3A_102, %sign3A_111 : i32
        %sign3A_113 = arith.extui %sign3A_112 : i1 to i32
        %sign3A_114 = arith.constant 0 : i32
        %sign3A_115 = arith.cmpi slt, %jit3A_102, %sign3A_114 : i32
        %sign3A_116 = arith.extui %sign3A_115 : i1 to i32
        %sign3A_117 = arith.subi %sign3A_113, %sign3A_116 : i32
        %ne3A_118 = arith.cmpi ne, %sign3A_110, %sign3A_117 : i32
        %rem3A_119 = arith.remsi %scan3A_92, %jit3A_102 : i32
        %ne3A_120 = arith.constant 0 : i32
        %ne3A_121 = arith.cmpi ne, %rem3A_119, %ne3A_120 : i32
        %and3A_122 = arith.andi %ne3A_118, %ne3A_121 : i1
        %sub3A_123 = arith.constant 1 : i32
        %sub3A_124 = arith.subi %div3A_103, %sub3A_123 : i32
        %select_n3A_125 = arith.select %and3A_122, %sub3A_124, %div3A_103 : i32
        %jit3A_126 = arith.constant 8 : i32
        %eq3A_127 = arith.constant 0 : i32
        %eq3A_128 = arith.cmpi eq, %jit3A_126, %eq3A_127 : i32
        %jit3A_129 = arith.constant 1 : i32
        %select_n3A_130 = arith.select %eq3A_128, %jit3A_129, %jit3A_126 : i32
        %rem3A_131 = arith.remsi %scan3A_92, %select_n3A_130 : i32
        %ne3A_132 = arith.constant 0 : i32
        %ne3A_133 = arith.cmpi ne, %rem3A_131, %ne3A_132 : i32
        %lt3A_134 = arith.constant 0 : i32
        %lt3A_135 = arith.cmpi slt, %rem3A_131, %lt3A_134 : i32
        %lt3A_136 = arith.constant 0 : i32
        %lt3A_137 = arith.cmpi slt, %select_n3A_130, %lt3A_136 : i32
        %ne3A_138 = arith.xori %lt3A_135, %lt3A_137 : i1
        %and3A_139 = arith.andi %ne3A_138, %ne3A_133 : i1
        %add3A_140 = arith.addi %rem3A_131, %select_n3A_130 : i32
        %select_n3A_141 = arith.select %and3A_139, %add3A_140, %rem3A_131 : i32
        %mul3A_142 = arith.constant 16 : i32
        %mul3A_143 = arith.muli %select_n3A_141, %mul3A_142 : i32
        %swap3A_144 = arith.index_cast %select_n3A_125 : i32 to index
        %swap3A_145 = arith.index_cast %mul3A_143 : i32 to index
        %swap3A_146 = tpu.vector_load %arg12[%swap3A_144, %swap3A_145] {strides = array<i32>} : memref<250x128xf32, #tpu.memory_space<vmem>>, vector<1x16xf32>,
        %swap3A_147 = vector.shape_cast %swap3A_146 : vector<1x16xf32> to vector<16xf32>
        %swap3A_148 = vector.shape_cast %add3A_101 : vector<16xf32> to vector<1x16xf32>
        tpu.vector_store %arg12[%swap3A_144, %swap3A_145], %swap3A_148 {strides = array<i32>} : memref<250x128xf32, #tpu.memory_space<vmem>>, vector<1x16xf32>,
        %scan3A_149 = arith.constant 2 : i32
        %scan3A_150 = arith.addi %scan3A_37, %scan3A_149 : i32
        %get3A_151 = arith.index_cast %scan3A_150 : i32 to index
        %get3A_152 = arith.constant 0 : index
        %get3A_153 = tpu.vector_load %arg10[%get3A_151, %get3A_152] {strides = array<i32>} : memref<2000x16xf32, #tpu.memory_space<vmem>>, vector<1x16xf32>,
        %get3A_154 = vector.shape_cast %get3A_153 : vector<1x16xf32> to vector<16xf32>
        %get3A_155 = arith.index_cast %scan3A_150 : i32 to index
        %get3A_156 = arith.constant 0 : index
        %get3A_157 = tpu.vector_load %arg11[%get3A_155, %get3A_156] {strides = array<i32>} : memref<2000x16xf32, #tpu.memory_space<vmem>>, vector<1x16xf32>,
        %get3A_158 = vector.shape_cast %get3A_157 : vector<1x16xf32> to vector<16xf32>
        %add3A_159 = arith.addf %get3A_154, %get3A_158 : vector<16xf32>
        %jit3A_160 = arith.constant 8 : i32
        %div3A_161 = arith.divsi %scan3A_150, %jit3A_160 : i32
        %sign3A_162 = arith.constant 0 : i32
        %sign3A_163 = arith.cmpi sgt, %scan3A_150, %sign3A_162 : i32
        %sign3A_164 = arith.extui %sign3A_163 : i1 to i32
        %sign3A_165 = arith.constant 0 : i32
        %sign3A_166 = arith.cmpi slt, %scan3A_150, %sign3A_165 : i32
        %sign3A_167 = arith.extui %sign3A_166 : i1 to i32
        %sign3A_168 = arith.subi %sign3A_164, %sign3A_167 : i32
        %sign3A_169 = arith.constant 0 : i32
        %sign3A_170 = arith.cmpi sgt, %jit3A_160, %sign3A_169 : i32
        %sign3A_171 = arith.extui %sign3A_170 : i1 to i32
        %sign3A_172 = arith.constant 0 : i32
        %sign3A_173 = arith.cmpi slt, %jit3A_160, %sign3A_172 : i32
        %sign3A_174 = arith.extui %sign3A_173 : i1 to i32
        %sign3A_175 = arith.subi %sign3A_171, %sign3A_174 : i32
        %ne3A_176 = arith.cmpi ne, %sign3A_168, %sign3A_175 : i32
        %rem3A_177 = arith.remsi %scan3A_150, %jit3A_160 : i32
        %ne3A_178 = arith.constant 0 : i32
        %ne3A_179 = arith.cmpi ne, %rem3A_177, %ne3A_178 : i32
        %and3A_180 = arith.andi %ne3A_176, %ne3A_179 : i1
        %sub3A_181 = arith.constant 1 : i32
        %sub3A_182 = arith.subi %div3A_161, %sub3A_181 : i32
        %select_n3A_183 = arith.select %and3A_180, %sub3A_182, %div3A_161 : i32
        %jit3A_184 = arith.constant 8 : i32
        %eq3A_185 = arith.constant 0 : i32
        %eq3A_186 = arith.cmpi eq, %jit3A_184, %eq3A_185 : i32
        %jit3A_187 = arith.constant 1 : i32
        %select_n3A_188 = arith.select %eq3A_186, %jit3A_187, %jit3A_184 : i32
        %rem3A_189 = arith.remsi %scan3A_150, %select_n3A_188 : i32
        %ne3A_190 = arith.constant 0 : i32
        %ne3A_191 = arith.cmpi ne, %rem3A_189, %ne3A_190 : i32
        %lt3A_192 = arith.constant 0 : i32
        %lt3A_193 = arith.cmpi slt, %rem3A_189, %lt3A_192 : i32
        %lt3A_194 = arith.constant 0 : i32
        %lt3A_195 = arith.cmpi slt, %select_n3A_188, %lt3A_194 : i32
        %ne3A_196 = arith.xori %lt3A_193, %lt3A_195 : i1
        %and3A_197 = arith.andi %ne3A_196, %ne3A_191 : i1
        %add3A_198 = arith.addi %rem3A_189, %select_n3A_188 : i32
        %select_n3A_199 = arith.select %and3A_197, %add3A_198, %rem3A_189 : i32
        %mul3A_200 = arith.constant 16 : i32
        %mul3A_201 = arith.muli %select_n3A_199, %mul3A_200 : i32
        %swap3A_202 = arith.index_cast %select_n3A_183 : i32 to index
        %swap3A_203 = arith.index_cast %mul3A_201 : i32 to index
        %swap3A_204 = tpu.vector_load %arg12[%swap3A_202, %swap3A_203] {strides = array<i32>} : memref<250x128xf32, #tpu.memory_space<vmem>>, vector<1x16xf32>,
        %swap3A_205 = vector.shape_cast %swap3A_204 : vector<1x16xf32> to vector<16xf32>
        %swap3A_206 = vector.shape_cast %add3A_159 : vector<16xf32> to vector<1x16xf32>
        tpu.vector_store %arg12[%swap3A_202, %swap3A_203], %swap3A_206 {strides = array<i32>} : memref<250x128xf32, #tpu.memory_space<vmem>>, vector<1x16xf32>,
        %scan3A_207 = arith.constant 3 : i32
        %scan3A_208 = arith.addi %scan3A_37, %scan3A_207 : i32
        %get3A_209 = arith.index_cast %scan3A_208 : i32 to index
        %get3A_210 = arith.constant 0 : index
        %get3A_211 = tpu.vector_load %arg10[%get3A_209, %get3A_210] {strides = array<i32>} : memref<2000x16xf32, #tpu.memory_space<vmem>>, vector<1x16xf32>,
        %get3A_212 = vector.shape_cast %get3A_211 : vector<1x16xf32> to vector<16xf32>
        %get3A_213 = arith.index_cast %scan3A_208 : i32 to index
        %get3A_214 = arith.constant 0 : index
        %get3A_215 = tpu.vector_load %arg11[%get3A_213, %get3A_214] {strides = array<i32>} : memref<2000x16xf32, #tpu.memory_space<vmem>>, vector<1x16xf32>,
        %get3A_216 = vector.shape_cast %get3A_215 : vector<1x16xf32> to vector<16xf32>
        %add3A_217 = arith.addf %get3A_212, %get3A_216 : vector<16xf32>
        %jit3A_218 = arith.constant 8 : i32
        %div3A_219 = arith.divsi %scan3A_208, %jit3A_218 : i32
        %sign3A_220 = arith.constant 0 : i32
        %sign3A_221 = arith.cmpi sgt, %scan3A_208, %sign3A_220 : i32
        %sign3A_222 = arith.extui %sign3A_221 : i1 to i32
        %sign3A_223 = arith.constant 0 : i32
        %sign3A_224 = arith.cmpi slt, %scan3A_208, %sign3A_223 : i32
        %sign3A_225 = arith.extui %sign3A_224 : i1 to i32
        %sign3A_226 = arith.subi %sign3A_222, %sign3A_225 : i32
        %sign3A_227 = arith.constant 0 : i32
        %sign3A_228 = arith.cmpi sgt, %jit3A_218, %sign3A_227 : i32
        %sign3A_229 = arith.extui %sign3A_228 : i1 to i32
        %sign3A_230 = arith.constant 0 : i32
        %sign3A_231 = arith.cmpi slt, %jit3A_218, %sign3A_230 : i32
        %sign3A_232 = arith.extui %sign3A_231 : i1 to i32
        %sign3A_233 = arith.subi %sign3A_229, %sign3A_232 : i32
        %ne3A_234 = arith.cmpi ne, %sign3A_226, %sign3A_233 : i32
        %rem3A_235 = arith.remsi %scan3A_208, %jit3A_218 : i32
        %ne3A_236 = arith.constant 0 : i32
        %ne3A_237 = arith.cmpi ne, %rem3A_235, %ne3A_236 : i32
        %and3A_238 = arith.andi %ne3A_234, %ne3A_237 : i1
        %sub3A_239 = arith.constant 1 : i32
        %sub3A_240 = arith.subi %div3A_219, %sub3A_239 : i32
        %select_n3A_241 = arith.select %and3A_238, %sub3A_240, %div3A_219 : i32
        %jit3A_242 = arith.constant 8 : i32
        %eq3A_243 = arith.constant 0 : i32
        %eq3A_244 = arith.cmpi eq, %jit3A_242, %eq3A_243 : i32
        %jit3A_245 = arith.constant 1 : i32
        %select_n3A_246 = arith.select %eq3A_244, %jit3A_245, %jit3A_242 : i32
        %rem3A_247 = arith.remsi %scan3A_208, %select_n3A_246 : i32
        %ne3A_248 = arith.constant 0 : i32
        %ne3A_249 = arith.cmpi ne, %rem3A_247, %ne3A_248 : i32
        %lt3A_250 = arith.constant 0 : i32
        %lt3A_251 = arith.cmpi slt, %rem3A_247, %lt3A_250 : i32
        %lt3A_252 = arith.constant 0 : i32
        %lt3A_253 = arith.cmpi slt, %select_n3A_246, %lt3A_252 : i32
        %ne3A_254 = arith.xori %lt3A_251, %lt3A_253 : i1
        %and3A_255 = arith.andi %ne3A_254, %ne3A_249 : i1
        %add3A_256 = arith.addi %rem3A_247, %select_n3A_246 : i32
        %select_n3A_257 = arith.select %and3A_255, %add3A_256, %rem3A_247 : i32
        %mul3A_258 = arith.constant 16 : i32
        %mul3A_259 = arith.muli %select_n3A_257, %mul3A_258 : i32
        %swap3A_260 = arith.index_cast %select_n3A_241 : i32 to index
        %swap3A_261 = arith.index_cast %mul3A_259 : i32 to index
        %swap3A_262 = tpu.vector_load %arg12[%swap3A_260, %swap3A_261] {strides = array<i32>} : memref<250x128xf32, #tpu.memory_space<vmem>>, vector<1x16xf32>,
        %swap3A_263 = vector.shape_cast %swap3A_262 : vector<1x16xf32> to vector<16xf32>
        %swap3A_264 = vector.shape_cast %add3A_217 : vector<16xf32> to vector<1x16xf32>
        tpu.vector_store %arg12[%swap3A_260, %swap3A_261], %swap3A_264 {strides = array<i32>} : memref<250x128xf32, #tpu.memory_space<vmem>>, vector<1x16xf32>,
        %scan3A_265 = arith.constant 4 : i32
        %scan3A_266 = arith.addi %scan3A_37, %scan3A_265 : i32
        %get3A_267 = arith.index_cast %scan3A_266 : i32 to index
        %get3A_268 = arith.constant 0 : index
        %get3A_269 = tpu.vector_load %arg10[%get3A_267, %get3A_268] {strides = array<i32>} : memref<2000x16xf32, #tpu.memory_space<vmem>>, vector<1x16xf32>,
        %get3A_270 = vector.shape_cast %get3A_269 : vector<1x16xf32> to vector<16xf32>
        %get3A_271 = arith.index_cast %scan3A_266 : i32 to index
        %get3A_272 = arith.constant 0 : index
        %get3A_273 = tpu.vector_load %arg11[%get3A_271, %get3A_272] {strides = array<i32>} : memref<2000x16xf32, #tpu.memory_space<vmem>>, vector<1x16xf32>,
        %get3A_274 = vector.shape_cast %get3A_273 : vector<1x16xf32> to vector<16xf32>
        %add3A_275 = arith.addf %get3A_270, %get3A_274 : vector<16xf32>
        %jit3A_276 = arith.constant 8 : i32
        %div3A_277 = arith.divsi %scan3A_266, %jit3A_276 : i32
        %sign3A_278 = arith.constant 0 : i32
        %sign3A_279 = arith.cmpi sgt, %scan3A_266, %sign3A_278 : i32
        %sign3A_280 = arith.extui %sign3A_279 : i1 to i32
        %sign3A_281 = arith.constant 0 : i32
        %sign3A_282 = arith.cmpi slt, %scan3A_266, %sign3A_281 : i32
        %sign3A_283 = arith.extui %sign3A_282 : i1 to i32
        %sign3A_284 = arith.subi %sign3A_280, %sign3A_283 : i32
        %sign3A_285 = arith.constant 0 : i32
        %sign3A_286 = arith.cmpi sgt, %jit3A_276, %sign3A_285 : i32
        %sign3A_287 = arith.extui %sign3A_286 : i1 to i32
        %sign3A_288 = arith.constant 0 : i32
        %sign3A_289 = arith.cmpi slt, %jit3A_276, %sign3A_288 : i32
        %sign3A_290 = arith.extui %sign3A_289 : i1 to i32
        %sign3A_291 = arith.subi %sign3A_287, %sign3A_290 : i32
        %ne3A_292 = arith.cmpi ne, %sign3A_284, %sign3A_291 : i32
        %rem3A_293 = arith.remsi %scan3A_266, %jit3A_276 : i32
        %ne3A_294 = arith.constant 0 : i32
        %ne3A_295 = arith.cmpi ne, %rem3A_293, %ne3A_294 : i32
        %and3A_296 = arith.andi %ne3A_292, %ne3A_295 : i1
        %sub3A_297 = arith.constant 1 : i32
        %sub3A_298 = arith.subi %div3A_277, %sub3A_297 : i32
        %select_n3A_299 = arith.select %and3A_296, %sub3A_298, %div3A_277 : i32
        %jit3A_300 = arith.constant 8 : i32
        %eq3A_301 = arith.constant 0 : i32
        %eq3A_302 = arith.cmpi eq, %jit3A_300, %eq3A_301 : i32
        %jit3A_303 = arith.constant 1 : i32
        %select_n3A_304 = arith.select %eq3A_302, %jit3A_303, %jit3A_300 : i32
        %rem3A_305 = arith.remsi %scan3A_266, %select_n3A_304 : i32
        %ne3A_306 = arith.constant 0 : i32
        %ne3A_307 = arith.cmpi ne, %rem3A_305, %ne3A_306 : i32
        %lt3A_308 = arith.constant 0 : i32
        %lt3A_309 = arith.cmpi slt, %rem3A_305, %lt3A_308 : i32
        %lt3A_310 = arith.constant 0 : i32
        %lt3A_311 = arith.cmpi slt, %select_n3A_304, %lt3A_310 : i32
        %ne3A_312 = arith.xori %lt3A_309, %lt3A_311 : i1
        %and3A_313 = arith.andi %ne3A_312, %ne3A_307 : i1
        %add3A_314 = arith.addi %rem3A_305, %select_n3A_304 : i32
        %select_n3A_315 = arith.select %and3A_313, %add3A_314, %rem3A_305 : i32
        %mul3A_316 = arith.constant 16 : i32
        %mul3A_317 = arith.muli %select_n3A_315, %mul3A_316 : i32
        %swap3A_318 = arith.index_cast %select_n3A_299 : i32 to index
        %swap3A_319 = arith.index_cast %mul3A_317 : i32 to index
        %swap3A_320 = tpu.vector_load %arg12[%swap3A_318, %swap3A_319] {strides = array<i32>} : memref<250x128xf32, #tpu.memory_space<vmem>>, vector<1x16xf32>,
        %swap3A_321 = vector.shape_cast %swap3A_320 : vector<1x16xf32> to vector<16xf32>
        %swap3A_322 = vector.shape_cast %add3A_275 : vector<16xf32> to vector<1x16xf32>
        tpu.vector_store %arg12[%swap3A_318, %swap3A_319], %swap3A_322 {strides = array<i32>} : memref<250x128xf32, #tpu.memory_space<vmem>>, vector<1x16xf32>,
        %scan3A_323 = arith.constant 5 : i32
        %scan3A_324 = arith.addi %scan3A_37, %scan3A_323 : i32
        %get3A_325 = arith.index_cast %scan3A_324 : i32 to index
        %get3A_326 = arith.constant 0 : index
        %get3A_327 = tpu.vector_load %arg10[%get3A_325, %get3A_326] {strides = array<i32>} : memref<2000x16xf32, #tpu.memory_space<vmem>>, vector<1x16xf32>,
        %get3A_328 = vector.shape_cast %get3A_327 : vector<1x16xf32> to vector<16xf32>
        %get3A_329 = arith.index_cast %scan3A_324 : i32 to index
        %get3A_330 = arith.constant 0 : index
        %get3A_331 = tpu.vector_load %arg11[%get3A_329, %get3A_330] {strides = array<i32>} : memref<2000x16xf32, #tpu.memory_space<vmem>>, vector<1x16xf32>,
        %get3A_332 = vector.shape_cast %get3A_331 : vector<1x16xf32> to vector<16xf32>
        %add3A_333 = arith.addf %get3A_328, %get3A_332 : vector<16xf32>
        %jit3A_334 = arith.constant 8 : i32
        %div3A_335 = arith.divsi %scan3A_324, %jit3A_334 : i32
        %sign3A_336 = arith.constant 0 : i32
        %sign3A_337 = arith.cmpi sgt, %scan3A_324, %sign3A_336 : i32
        %sign3A_338 = arith.extui %sign3A_337 : i1 to i32
        %sign3A_339 = arith.constant 0 : i32
        %sign3A_340 = arith.cmpi slt, %scan3A_324, %sign3A_339 : i32
        %sign3A_341 = arith.extui %sign3A_340 : i1 to i32
        %sign3A_342 = arith.subi %sign3A_338, %sign3A_341 : i32
        %sign3A_343 = arith.constant 0 : i32
        %sign3A_344 = arith.cmpi sgt, %jit3A_334, %sign3A_343 : i32
        %sign3A_345 = arith.extui %sign3A_344 : i1 to i32
        %sign3A_346 = arith.constant 0 : i32
        %sign3A_347 = arith.cmpi slt, %jit3A_334, %sign3A_346 : i32
        %sign3A_348 = arith.extui %sign3A_347 : i1 to i32
        %sign3A_349 = arith.subi %sign3A_345, %sign3A_348 : i32
        %ne3A_350 = arith.cmpi ne, %sign3A_342, %sign3A_349 : i32
        %rem3A_351 = arith.remsi %scan3A_324, %jit3A_334 : i32
        %ne3A_352 = arith.constant 0 : i32
        %ne3A_353 = arith.cmpi ne, %rem3A_351, %ne3A_352 : i32
        %and3A_354 = arith.andi %ne3A_350, %ne3A_353 : i1
        %sub3A_355 = arith.constant 1 : i32
        %sub3A_356 = arith.subi %div3A_335, %sub3A_355 : i32
        %select_n3A_357 = arith.select %and3A_354, %sub3A_356, %div3A_335 : i32
        %jit3A_358 = arith.constant 8 : i32
        %eq3A_359 = arith.constant 0 : i32
        %eq3A_360 = arith.cmpi eq, %jit3A_358, %eq3A_359 : i32
        %jit3A_361 = arith.constant 1 : i32
        %select_n3A_362 = arith.select %eq3A_360, %jit3A_361, %jit3A_358 : i32
        %rem3A_363 = arith.remsi %scan3A_324, %select_n3A_362 : i32
        %ne3A_364 = arith.constant 0 : i32
        %ne3A_365 = arith.cmpi ne, %rem3A_363, %ne3A_364 : i32
        %lt3A_366 = arith.constant 0 : i32
        %lt3A_367 = arith.cmpi slt, %rem3A_363, %lt3A_366 : i32
        %lt3A_368 = arith.constant 0 : i32
        %lt3A_369 = arith.cmpi slt, %select_n3A_362, %lt3A_368 : i32
        %ne3A_370 = arith.xori %lt3A_367, %lt3A_369 : i1
        %and3A_371 = arith.andi %ne3A_370, %ne3A_365 : i1
        %add3A_372 = arith.addi %rem3A_363, %select_n3A_362 : i32
        %select_n3A_373 = arith.select %and3A_371, %add3A_372, %rem3A_363 : i32
        %mul3A_374 = arith.constant 16 : i32
        %mul3A_375 = arith.muli %select_n3A_373, %mul3A_374 : i32
        %swap3A_376 = arith.index_cast %select_n3A_357 : i32 to index
        %swap3A_377 = arith.index_cast %mul3A_375 : i32 to index
        %swap3A_378 = tpu.vector_load %arg12[%swap3A_376, %swap3A_377] {strides = array<i32>} : memref<250x128xf32, #tpu.memory_space<vmem>>, vector<1x16xf32>,
        %swap3A_379 = vector.shape_cast %swap3A_378 : vector<1x16xf32> to vector<16xf32>
        %swap3A_380 = vector.shape_cast %add3A_333 : vector<16xf32> to vector<1x16xf32>
        tpu.vector_store %arg12[%swap3A_376, %swap3A_377], %swap3A_380 {strides = array<i32>} : memref<250x128xf32, #tpu.memory_space<vmem>>, vector<1x16xf32>,
        %scan3A_381 = arith.constant 6 : i32
        %scan3A_382 = arith.addi %scan3A_37, %scan3A_381 : i32
        %get3A_383 = arith.index_cast %scan3A_382 : i32 to index
        %get3A_384 = arith.constant 0 : index
        %get3A_385 = tpu.vector_load %arg10[%get3A_383, %get3A_384] {strides = array<i32>} : memref<2000x16xf32, #tpu.memory_space<vmem>>, vector<1x16xf32>,
        %get3A_386 = vector.shape_cast %get3A_385 : vector<1x16xf32> to vector<16xf32>
        %get3A_387 = arith.index_cast %scan3A_382 : i32 to index
        %get3A_388 = arith.constant 0 : index
        %get3A_389 = tpu.vector_load %arg11[%get3A_387, %get3A_388] {strides = array<i32>} : memref<2000x16xf32, #tpu.memory_space<vmem>>, vector<1x16xf32>,
        %get3A_390 = vector.shape_cast %get3A_389 : vector<1x16xf32> to vector<16xf32>
        %add3A_391 = arith.addf %get3A_386, %get3A_390 : vector<16xf32>
        %jit3A_392 = arith.constant 8 : i32
        %div3A_393 = arith.divsi %scan3A_382, %jit3A_392 : i32
        %sign3A_394 = arith.constant 0 : i32
        %sign3A_395 = arith.cmpi sgt, %scan3A_382, %sign3A_394 : i32
        %sign3A_396 = arith.extui %sign3A_395 : i1 to i32
        %sign3A_397 = arith.constant 0 : i32
        %sign3A_398 = arith.cmpi slt, %scan3A_382, %sign3A_397 : i32
        %sign3A_399 = arith.extui %sign3A_398 : i1 to i32
        %sign3A_400 = arith.subi %sign3A_396, %sign3A_399 : i32
        %sign3A_401 = arith.constant 0 : i32
        %sign3A_402 = arith.cmpi sgt, %jit3A_392, %sign3A_401 : i32
        %sign3A_403 = arith.extui %sign3A_402 : i1 to i32
        %sign3A_404 = arith.constant 0 : i32
        %sign3A_405 = arith.cmpi slt, %jit3A_392, %sign3A_404 : i32
        %sign3A_406 = arith.extui %sign3A_405 : i1 to i32
        %sign3A_407 = arith.subi %sign3A_403, %sign3A_406 : i32
        %ne3A_408 = arith.cmpi ne, %sign3A_400, %sign3A_407 : i32
        %rem3A_409 = arith.remsi %scan3A_382, %jit3A_392 : i32
        %ne3A_410 = arith.constant 0 : i32
        %ne3A_411 = arith.cmpi ne, %rem3A_409, %ne3A_410 : i32
        %and3A_412 = arith.andi %ne3A_408, %ne3A_411 : i1
        %sub3A_413 = arith.constant 1 : i32
        %sub3A_414 = arith.subi %div3A_393, %sub3A_413 : i32
        %select_n3A_415 = arith.select %and3A_412, %sub3A_414, %div3A_393 : i32
        %jit3A_416 = arith.constant 8 : i32
        %eq3A_417 = arith.constant 0 : i32
        %eq3A_418 = arith.cmpi eq, %jit3A_416, %eq3A_417 : i32
        %jit3A_419 = arith.constant 1 : i32
        %select_n3A_420 = arith.select %eq3A_418, %jit3A_419, %jit3A_416 : i32
        %rem3A_421 = arith.remsi %scan3A_382, %select_n3A_420 : i32
        %ne3A_422 = arith.constant 0 : i32
        %ne3A_423 = arith.cmpi ne, %rem3A_421, %ne3A_422 : i32
        %lt3A_424 = arith.constant 0 : i32
        %lt3A_425 = arith.cmpi slt, %rem3A_421, %lt3A_424 : i32
        %lt3A_426 = arith.constant 0 : i32
        %lt3A_427 = arith.cmpi slt, %select_n3A_420, %lt3A_426 : i32
        %ne3A_428 = arith.xori %lt3A_425, %lt3A_427 : i1
        %and3A_429 = arith.andi %ne3A_428, %ne3A_423 : i1
        %add3A_430 = arith.addi %rem3A_421, %select_n3A_420 : i32
        %select_n3A_431 = arith.select %and3A_429, %add3A_430, %rem3A_421 : i32
        %mul3A_432 = arith.constant 16 : i32
        %mul3A_433 = arith.muli %select_n3A_431, %mul3A_432 : i32
        %swap3A_434 = arith.index_cast %select_n3A_415 : i32 to index
        %swap3A_435 = arith.index_cast %mul3A_433 : i32 to index
        %swap3A_436 = tpu.vector_load %arg12[%swap3A_434, %swap3A_435] {strides = array<i32>} : memref<250x128xf32, #tpu.memory_space<vmem>>, vector<1x16xf32>,
        %swap3A_437 = vector.shape_cast %swap3A_436 : vector<1x16xf32> to vector<16xf32>
        %swap3A_438 = vector.shape_cast %add3A_391 : vector<16xf32> to vector<1x16xf32>
        tpu.vector_store %arg12[%swap3A_434, %swap3A_435], %swap3A_438 {strides = array<i32>} : memref<250x128xf32, #tpu.memory_space<vmem>>, vector<1x16xf32>,
        %scan3A_439 = arith.constant 7 : i32
        %scan3A_440 = arith.addi %scan3A_37, %scan3A_439 : i32
        %get3A_441 = arith.index_cast %scan3A_440 : i32 to index
        %get3A_442 = arith.constant 0 : index
        %get3A_443 = tpu.vector_load %arg10[%get3A_441, %get3A_442] {strides = array<i32>} : memref<2000x16xf32, #tpu.memory_space<vmem>>, vector<1x16xf32>,
        %get3A_444 = vector.shape_cast %get3A_443 : vector<1x16xf32> to vector<16xf32>
        %get3A_445 = arith.index_cast %scan3A_440 : i32 to index
        %get3A_446 = arith.constant 0 : index
        %get3A_447 = tpu.vector_load %arg11[%get3A_445, %get3A_446] {strides = array<i32>} : memref<2000x16xf32, #tpu.memory_space<vmem>>, vector<1x16xf32>,
        %get3A_448 = vector.shape_cast %get3A_447 : vector<1x16xf32> to vector<16xf32>
        %add3A_449 = arith.addf %get3A_444, %get3A_448 : vector<16xf32>
        %jit3A_450 = arith.constant 8 : i32
        %div3A_451 = arith.divsi %scan3A_440, %jit3A_450 : i32
        %sign3A_452 = arith.constant 0 : i32
        %sign3A_453 = arith.cmpi sgt, %scan3A_440, %sign3A_452 : i32
        %sign3A_454 = arith.extui %sign3A_453 : i1 to i32
        %sign3A_455 = arith.constant 0 : i32
        %sign3A_456 = arith.cmpi slt, %scan3A_440, %sign3A_455 : i32
        %sign3A_457 = arith.extui %sign3A_456 : i1 to i32
        %sign3A_458 = arith.subi %sign3A_454, %sign3A_457 : i32
        %sign3A_459 = arith.constant 0 : i32
        %sign3A_460 = arith.cmpi sgt, %jit3A_450, %sign3A_459 : i32
        %sign3A_461 = arith.extui %sign3A_460 : i1 to i32
        %sign3A_462 = arith.constant 0 : i32
        %sign3A_463 = arith.cmpi slt, %jit3A_450, %sign3A_462 : i32
        %sign3A_464 = arith.extui %sign3A_463 : i1 to i32
        %sign3A_465 = arith.subi %sign3A_461, %sign3A_464 : i32
        %ne3A_466 = arith.cmpi ne, %sign3A_458, %sign3A_465 : i32
        %rem3A_467 = arith.remsi %scan3A_440, %jit3A_450 : i32
        %ne3A_468 = arith.constant 0 : i32
        %ne3A_469 = arith.cmpi ne, %rem3A_467, %ne3A_468 : i32
        %and3A_470 = arith.andi %ne3A_466, %ne3A_469 : i1
        %sub3A_471 = arith.constant 1 : i32
        %sub3A_472 = arith.subi %div3A_451, %sub3A_471 : i32
        %select_n3A_473 = arith.select %and3A_470, %sub3A_472, %div3A_451 : i32
        %jit3A_474 = arith.constant 8 : i32
        %eq3A_475 = arith.constant 0 : i32
        %eq3A_476 = arith.cmpi eq, %jit3A_474, %eq3A_475 : i32
        %jit3A_477 = arith.constant 1 : i32
        %select_n3A_478 = arith.select %eq3A_476, %jit3A_477, %jit3A_474 : i32
        %rem3A_479 = arith.remsi %scan3A_440, %select_n3A_478 : i32
        %ne3A_480 = arith.constant 0 : i32
        %ne3A_481 = arith.cmpi ne, %rem3A_479, %ne3A_480 : i32
        %lt3A_482 = arith.constant 0 : i32
        %lt3A_483 = arith.cmpi slt, %rem3A_479, %lt3A_482 : i32
        %lt3A_484 = arith.constant 0 : i32
        %lt3A_485 = arith.cmpi slt, %select_n3A_478, %lt3A_484 : i32
        %ne3A_486 = arith.xori %lt3A_483, %lt3A_485 : i1
        %and3A_487 = arith.andi %ne3A_486, %ne3A_481 : i1
        %add3A_488 = arith.addi %rem3A_479, %select_n3A_478 : i32
        %select_n3A_489 = arith.select %and3A_487, %add3A_488, %rem3A_479 : i32
        %mul3A_490 = arith.constant 16 : i32
        %mul3A_491 = arith.muli %select_n3A_489, %mul3A_490 : i32
        %swap3A_492 = arith.index_cast %select_n3A_473 : i32 to index
        %swap3A_493 = arith.index_cast %mul3A_491 : i32 to index
        %swap3A_494 = tpu.vector_load %arg12[%swap3A_492, %swap3A_493] {strides = array<i32>} : memref<250x128xf32, #tpu.memory_space<vmem>>, vector<1x16xf32>,
        %swap3A_495 = vector.shape_cast %swap3A_494 : vector<1x16xf32> to vector<16xf32>
        %swap3A_496 = vector.shape_cast %add3A_449 : vector<16xf32> to vector<1x16xf32>
        tpu.vector_store %arg12[%swap3A_492, %swap3A_493], %swap3A_496 {strides = array<i32>} : memref<250x128xf32, #tpu.memory_space<vmem>>, vector<1x16xf32>,
      }
      %scan3A_36 = arith.constant 2000 : i32
      "tpu.region"() ({
        %run_scoped3A_37 = tpu.sem_alloc : memref<!tpu.dma_semaphore, #tpu.memory_space<semaphore_mem>>
        %dma_start3A = arith.constant 0 : i32
        %dma_start3A_38 = tpu.memref_slice %arg5[%select_n3A, %dma_start3A] : memref<40000x128xf32, #tpu.memory_space<hbm>> -> memref<250x128xf32, #tpu.memory_space<hbm>>
        %dma_start3A_39 = arith.constant 0 : i32
        %dma_start3A_40 = tpu.memref_slice %arg5[%select_n3A, %dma_start3A_39] : memref<40000x128xf32, #tpu.memory_space<hbm>> -> memref<250x128xf32, #tpu.memory_space<hbm>>
        tpu.enqueue_dma source(%arg12 : memref<250x128xf32, #tpu.memory_space<vmem>>) target(%dma_start3A_40 : memref<250x128xf32, #tpu.memory_space<hbm>>) target_semaphore(%run_scoped3A_37 : memref<!tpu.dma_semaphore, #tpu.memory_space<semaphore_mem>>)
        %dma_wait3A = arith.constant 0 : i32
        %dma_wait3A_41 = tpu.memref_slice %arg5[%select_n3A, %dma_wait3A] : memref<40000x128xf32, #tpu.memory_space<hbm>> -> memref<250x128xf32, #tpu.memory_space<hbm>>
        %dma_wait3A_42 = arith.constant 0 : i32
        %dma_wait3A_43 = tpu.memref_slice %arg5[%select_n3A, %dma_wait3A_42] : memref<40000x128xf32, #tpu.memory_space<hbm>> -> memref<250x128xf32, #tpu.memory_space<hbm>>
        tpu.wait_dma2 semaphore(%run_scoped3A_37 : memref<!tpu.dma_semaphore, #tpu.memory_space<semaphore_mem>>) src(%arg12 : memref<250x128xf32, #tpu.memory_space<vmem>>) dst(%dma_wait3A_43 : memref<250x128xf32, #tpu.memory_space<hbm>>)
        tpu.yield
      }) : () -> ()
    }
    %scan3A_7 = arith.constant 5 : i32
    return
  }
}

module attributes {stable_mosaic.version = 14 : i64} {
  func.func @_proj_body(%arg0: memref<10000x128xf32, #tpu.memory_space<vmem>>, %arg1: memref<128x16xf32, #tpu.memory_space<vmem>>, %arg2: memref<128x16xf32, #tpu.memory_space<vmem>>, %arg3: memref<10000x16xf32, #tpu.memory_space<vmem>>, %arg4: memref<10000x16xf32, #tpu.memory_space<vmem>>) attributes {dimension_semantics = [], scalar_prefetch = 0 : i64, scratch_operands = 0 : i64, tpu.core_type = #tpu.core_type<tc>} {
    %get3A = arith.constant 0 : index
    %get3A_0 = arith.constant 0 : index
    %get3A_1 = vector.load %arg0[%get3A, %get3A_0] : memref<10000x128xf32, #tpu.memory_space<vmem>>, vector<10000x128xf32>
    %get3A_2 = arith.constant 0 : index
    %get3A_3 = arith.constant 0 : index
    %get3A_4 = vector.load %arg1[%get3A_2, %get3A_3] : memref<128x16xf32, #tpu.memory_space<vmem>>, vector<128x16xf32>
    %dot_general3A = arith.constant dense<0.000000e+00> : vector<10000x16xf32>
    %dot_general3A_5 = tpu.matmul %get3A_1, %get3A_4, %dot_general3A {dimension_numbers = #tpu.dot_dimension_numbers<[1], [0], [0], [1], [0, 0, 1, 1], [], []>, transpose_lhs_hint = false} : vector<10000x128xf32>, vector<128x16xf32>, vector<10000x16xf32> -> vector<10000x16xf32>
    %swap3A = arith.constant 0 : index
    %swap3A_6 = arith.constant 0 : index
    %swap3A_7 = vector.load %arg3[%swap3A, %swap3A_6] : memref<10000x16xf32, #tpu.memory_space<vmem>>, vector<10000x16xf32>
    tpu.vector_store %arg3[%swap3A, %swap3A_6], %dot_general3A_5 {strides = array<i32>} : memref<10000x16xf32, #tpu.memory_space<vmem>>, vector<10000x16xf32>,
    %get3A_8 = arith.constant 0 : index
    %get3A_9 = arith.constant 0 : index
    %get3A_10 = vector.load %arg2[%get3A_8, %get3A_9] : memref<128x16xf32, #tpu.memory_space<vmem>>, vector<128x16xf32>
    %dot_general3A_11 = arith.constant dense<0.000000e+00> : vector<10000x16xf32>
    %dot_general3A_12 = tpu.matmul %get3A_1, %get3A_10, %dot_general3A_11 {dimension_numbers = #tpu.dot_dimension_numbers<[1], [0], [0], [1], [0, 0, 1, 1], [], []>, transpose_lhs_hint = false} : vector<10000x128xf32>, vector<128x16xf32>, vector<10000x16xf32> -> vector<10000x16xf32>
    %swap3A_13 = arith.constant 0 : index
    %swap3A_14 = arith.constant 0 : index
    %swap3A_15 = vector.load %arg4[%swap3A_13, %swap3A_14] : memref<10000x16xf32, #tpu.memory_space<vmem>>, vector<10000x16xf32>
    tpu.vector_store %arg4[%swap3A_13, %swap3A_14], %dot_general3A_12 {strides = array<i32>} : memref<10000x16xf32, #tpu.memory_space<vmem>>, vector<10000x16xf32>,
    return
  }
}

module attributes {stable_mosaic.version = 14 : i64} {
  func.func @_ln_body(%arg0: i32, %arg1: memref<2000x128xf32, #tpu.memory_space<vmem>>, %arg2: memref<2000x128xf32, #tpu.memory_space<vmem>>, %arg3: memref<128x128xf32, #tpu.memory_space<vmem>>, %arg4: memref<128x128xf32, #tpu.memory_space<vmem>>, %arg5: memref<1x128xf32, #tpu.memory_space<vmem>>, %arg6: memref<1x128xf32, #tpu.memory_space<vmem>>, %arg7: memref<1x128xf32, #tpu.memory_space<vmem>>, %arg8: memref<2000x128xf32, #tpu.memory_space<vmem>>) attributes {dimension_semantics = [#tpu.dimension_semantics<arbitrary>], iteration_bounds = array<i64: 20>, scalar_prefetch = 0 : i64, scratch_operands = 0 : i64, tpu.core_type = #tpu.core_type<tc>, window_params = [{transform_indices = @transform_0, window_bounds = array<i64: 2000, 128>}, {transform_indices = @transform_1, window_bounds = array<i64: 2000, 128>}, {pipeline_mode = #tpu.pipeline_mode<synchronous>, transform_indices = @transform_2, window_bounds = array<i64: 128, 128>}, {pipeline_mode = #tpu.pipeline_mode<synchronous>, transform_indices = @transform_3, window_bounds = array<i64: 128, 128>}, {pipeline_mode = #tpu.pipeline_mode<synchronous>, transform_indices = @transform_4, window_bounds = array<i64: 1, 128>}, {pipeline_mode = #tpu.pipeline_mode<synchronous>, transform_indices = @transform_5, window_bounds = array<i64: 1, 128>}, {pipeline_mode = #tpu.pipeline_mode<synchronous>, transform_indices = @transform_6, window_bounds = array<i64: 1, 128>}, {transform_indices = @transform_7, window_bounds = array<i64: 2000, 128>}]} {
    %get3A = arith.constant 0 : index
    %get3A_0 = arith.constant 0 : index
    %get3A_1 = vector.load %arg1[%get3A, %get3A_0] : memref<2000x128xf32, #tpu.memory_space<vmem>>, vector<2000x128xf32>
    %get3A_2 = arith.constant 0 : index
    %get3A_3 = arith.constant 0 : index
    %get3A_4 = vector.load %arg3[%get3A_2, %get3A_3] : memref<128x128xf32, #tpu.memory_space<vmem>>, vector<128x128xf32>
    %dot_general3A = arith.constant dense<0.000000e+00> : vector<2000x128xf32>
    %dot_general3A_5 = tpu.matmul %get3A_1, %get3A_4, %dot_general3A {dimension_numbers = #tpu.dot_dimension_numbers<[1], [0], [0], [1], [0, 0, 1, 1], [], []>, transpose_lhs_hint = false} : vector<2000x128xf32>, vector<128x128xf32>, vector<2000x128xf32> -> vector<2000x128xf32>
    %get3A_6 = arith.constant 0 : index
    %get3A_7 = arith.constant 0 : index
    %get3A_8 = vector.load %arg2[%get3A_6, %get3A_7] : memref<2000x128xf32, #tpu.memory_space<vmem>>, vector<2000x128xf32>
    %add3A = arith.addf %dot_general3A_5, %get3A_8 : vector<2000x128xf32>
    %get3A_9 = arith.constant 0 : index
    %get3A_10 = arith.constant 0 : index
    %get3A_11 = vector.load %arg5[%get3A_9, %get3A_10] : memref<1x128xf32, #tpu.memory_space<vmem>>, vector<1x128xf32>
    %add3A_12 = vector.broadcast %get3A_11 : vector<1x128xf32> to vector<2000x128xf32>
    %add3A_13 = arith.addf %add3A, %add3A_12 : vector<2000x128xf32>
    %get3A_14 = arith.constant 0 : index
    %get3A_15 = arith.constant 0 : index
    %get3A_16 = vector.load %arg4[%get3A_14, %get3A_15] : memref<128x128xf32, #tpu.memory_space<vmem>>, vector<128x128xf32>
    %dot_general3A_17 = arith.constant dense<0.000000e+00> : vector<2000x128xf32>
    %dot_general3A_18 = tpu.matmul %add3A_13, %get3A_16, %dot_general3A_17 {dimension_numbers = #tpu.dot_dimension_numbers<[1], [0], [0], [1], [0, 0, 1, 1], [], []>, transpose_lhs_hint = false} : vector<2000x128xf32>, vector<128x128xf32>, vector<2000x128xf32> -> vector<2000x128xf32>
    %sub3A = arith.subf %add3A_13, %dot_general3A_18 : vector<2000x128xf32>
    %mul3A = arith.mulf %sub3A, %sub3A : vector<2000x128xf32>
    %get3A_19 = arith.constant 0 : index
    %get3A_20 = arith.constant 0 : index
    %get3A_21 = vector.load %arg4[%get3A_19, %get3A_20] : memref<128x128xf32, #tpu.memory_space<vmem>>, vector<128x128xf32>
    %dot_general3A_22 = arith.constant dense<0.000000e+00> : vector<2000x128xf32>
    %dot_general3A_23 = tpu.matmul %mul3A, %get3A_21, %dot_general3A_22 {dimension_numbers = #tpu.dot_dimension_numbers<[1], [0], [0], [1], [0, 0, 1, 1], [], []>, transpose_lhs_hint = false} : vector<2000x128xf32>, vector<128x128xf32>, vector<2000x128xf32> -> vector<2000x128xf32>
    %add3A_24 = arith.constant 9.99999974E-6 : f32
    %add3A_25 = vector.broadcast %add3A_24 : f32 to vector<2000x128xf32>
    %add3A_26 = arith.addf %dot_general3A_23, %add3A_25 : vector<2000x128xf32>
    %rsqrt3A = math.rsqrt %add3A_26 : vector<2000x128xf32>
    %mul3A_27 = arith.mulf %sub3A, %rsqrt3A : vector<2000x128xf32>
    %get3A_28 = arith.constant 0 : index
    %get3A_29 = arith.constant 0 : index
    %get3A_30 = vector.load %arg6[%get3A_28, %get3A_29] : memref<1x128xf32, #tpu.memory_space<vmem>>, vector<1x128xf32>
    %mul3A_31 = vector.broadcast %get3A_30 : vector<1x128xf32> to vector<2000x128xf32>
    %mul3A_32 = arith.mulf %mul3A_27, %mul3A_31 : vector<2000x128xf32>
    %get3A_33 = arith.constant 0 : index
    %get3A_34 = arith.constant 0 : index
    %get3A_35 = vector.load %arg7[%get3A_33, %get3A_34] : memref<1x128xf32, #tpu.memory_space<vmem>>, vector<1x128xf32>
    %add3A_36 = vector.broadcast %get3A_35 : vector<1x128xf32> to vector<2000x128xf32>
    %add3A_37 = arith.addf %mul3A_32, %add3A_36 : vector<2000x128xf32>
    %swap3A = arith.constant 0 : index
    %swap3A_38 = arith.constant 0 : index
    %swap3A_39 = vector.load %arg8[%swap3A, %swap3A_38] : memref<2000x128xf32, #tpu.memory_space<vmem>>, vector<2000x128xf32>
    tpu.vector_store %arg8[%swap3A, %swap3A_38], %add3A_37 {strides = array<i32>} : memref<2000x128xf32, #tpu.memory_space<vmem>>, vector<2000x128xf32>,
    return
  }
  func.func @transform_0(%arg0: i32) -> (i32, i32) {
    %c0_i32 = arith.constant 0 : i32
    %c0_i32_0 = arith.constant 0 : i32
    return %arg0, %c0_i32 : i32, i32
  }
  func.func @transform_1(%arg0: i32) -> (i32, i32) {
    %c0_i32 = arith.constant 0 : i32
    %c0_i32_0 = arith.constant 0 : i32
    return %arg0, %c0_i32 : i32, i32
  }
  func.func @transform_2(%arg0: i32) -> (i32, i32) {
    %c0_i32 = arith.constant 0 : i32
    %c0_i32_0 = arith.constant 0 : i32
    %c0_i32_1 = arith.constant 0 : i32
    return %c0_i32, %c0_i32_0 : i32, i32
  }
  func.func @transform_3(%arg0: i32) -> (i32, i32) {
    %c0_i32 = arith.constant 0 : i32
    %c0_i32_0 = arith.constant 0 : i32
    %c0_i32_1 = arith.constant 0 : i32
    return %c0_i32, %c0_i32_0 : i32, i32
  }
  func.func @transform_4(%arg0: i32) -> (i32, i32) {
    %c0_i32 = arith.constant 0 : i32
    %c0_i32_0 = arith.constant 0 : i32
    %c0_i32_1 = arith.constant 0 : i32
    return %c0_i32, %c0_i32_0 : i32, i32
  }
  func.func @transform_5(%arg0: i32) -> (i32, i32) {
    %c0_i32 = arith.constant 0 : i32
    %c0_i32_0 = arith.constant 0 : i32
    %c0_i32_1 = arith.constant 0 : i32
    return %c0_i32, %c0_i32_0 : i32, i32
  }
  func.func @transform_6(%arg0: i32) -> (i32, i32) {
    %c0_i32 = arith.constant 0 : i32
    %c0_i32_0 = arith.constant 0 : i32
    %c0_i32_1 = arith.constant 0 : i32
    return %c0_i32, %c0_i32_0 : i32, i32
  }
  func.func @transform_7(%arg0: i32) -> (i32, i32) {
    %c0_i32 = arith.constant 0 : i32
    %c0_i32_0 = arith.constant 0 : i32
    return %arg0, %c0_i32 : i32, i32
  }
}

module attributes {stable_mosaic.version = 14 : i64} {
  func.func @_node_body(%arg0: memref<10000x128xf32, #tpu.memory_space<vmem>>, %arg1: memref<2x10000x16xf32, #tpu.memory_space<vmem>>, %arg2: memref<2x10000x16xf32, #tpu.memory_space<vmem>>, %arg3: memref<128x128xf32, #tpu.memory_space<vmem>>, %arg4: memref<16x128xf32, #tpu.memory_space<vmem>>, %arg5: memref<1x128xf32, #tpu.memory_space<vmem>>, %arg6: memref<1x128xf32, #tpu.memory_space<vmem>>, %arg7: memref<1x128xf32, #tpu.memory_space<vmem>>, %arg8: memref<10000x128xf32, #tpu.memory_space<vmem>>) attributes {dimension_semantics = [], scalar_prefetch = 0 : i64, scratch_operands = 0 : i64, tpu.core_type = #tpu.core_type<tc>} {
    %get3A = arith.constant 0 : index
    %get3A_0 = arith.constant 0 : index
    %get3A_1 = vector.load %arg0[%get3A, %get3A_0] : memref<10000x128xf32, #tpu.memory_space<vmem>>, vector<10000x128xf32>
    %get3A_2 = arith.constant 0 : index
    %get3A_3 = arith.constant 0 : index
    %get3A_4 = arith.constant 0 : index
    %get3A_5 = vector.load %arg1[%get3A_2, %get3A_3, %get3A_4] : memref<2x10000x16xf32, #tpu.memory_space<vmem>>, vector<1x10000x16xf32>
    %get3A_6 = vector.shape_cast %get3A_5 : vector<1x10000x16xf32> to vector<10000x16xf32>
    %get3A_7 = arith.constant 1 : index
    %get3A_8 = arith.constant 0 : index
    %get3A_9 = arith.constant 0 : index
    %get3A_10 = vector.load %arg1[%get3A_7, %get3A_8, %get3A_9] : memref<2x10000x16xf32, #tpu.memory_space<vmem>>, vector<1x10000x16xf32>
    %get3A_11 = vector.shape_cast %get3A_10 : vector<1x10000x16xf32> to vector<10000x16xf32>
    %add3A = arith.addf %get3A_6, %get3A_11 : vector<10000x16xf32>
    %get3A_12 = arith.constant 0 : index
    %get3A_13 = arith.constant 0 : index
    %get3A_14 = arith.constant 0 : index
    %get3A_15 = vector.load %arg2[%get3A_12, %get3A_13, %get3A_14] : memref<2x10000x16xf32, #tpu.memory_space<vmem>>, vector<1x10000x1xf32>
    %get3A_16 = vector.shape_cast %get3A_15 : vector<1x10000x1xf32> to vector<10000x1xf32>
    %get3A_17 = arith.constant 1 : index
    %get3A_18 = arith.constant 0 : index
    %get3A_19 = arith.constant 0 : index
    %get3A_20 = vector.load %arg2[%get3A_17, %get3A_18, %get3A_19] : memref<2x10000x16xf32, #tpu.memory_space<vmem>>, vector<1x10000x1xf32>
    %get3A_21 = vector.shape_cast %get3A_20 : vector<1x10000x1xf32> to vector<10000x1xf32>
    %add3A_22 = arith.addf %get3A_16, %get3A_21 : vector<10000x1xf32>
    %add3A_23 = arith.constant 1.000000e-10 : f32
    %add3A_24 = vector.broadcast %add3A_23 : f32 to vector<10000x1xf32>
    %add3A_25 = arith.addf %add3A_22, %add3A_24 : vector<10000x1xf32>
    %div3A = vector.broadcast %add3A_25 : vector<10000x1xf32> to vector<10000x16xf32>
    %div3A_26 = arith.divf %add3A, %div3A : vector<10000x16xf32>
    %get3A_27 = arith.constant 0 : index
    %get3A_28 = arith.constant 0 : index
    %get3A_29 = vector.load %arg3[%get3A_27, %get3A_28] : memref<128x128xf32, #tpu.memory_space<vmem>>, vector<128x128xf32>
    %dot_general3A = arith.constant dense<0.000000e+00> : vector<10000x128xf32>
    %dot_general3A_30 = tpu.matmul %get3A_1, %get3A_29, %dot_general3A {dimension_numbers = #tpu.dot_dimension_numbers<[1], [0], [0], [1], [0, 0, 1, 1], [], []>, transpose_lhs_hint = false} : vector<10000x128xf32>, vector<128x128xf32>, vector<10000x128xf32> -> vector<10000x128xf32>
    %add3A_31 = arith.addf %get3A_1, %dot_general3A_30 : vector<10000x128xf32>
    %get3A_32 = arith.constant 0 : index
    %get3A_33 = arith.constant 0 : index
    %get3A_34 = vector.load %arg4[%get3A_32, %get3A_33] : memref<16x128xf32, #tpu.memory_space<vmem>>, vector<16x128xf32>
    %dot_general3A_35 = arith.constant dense<0.000000e+00> : vector<10000x128xf32>
    %dot_general3A_36 = tpu.matmul %div3A_26, %get3A_34, %dot_general3A_35 {dimension_numbers = #tpu.dot_dimension_numbers<[1], [0], [0], [1], [0, 0, 1, 1], [], []>, transpose_lhs_hint = false} : vector<10000x16xf32>, vector<16x128xf32>, vector<10000x128xf32> -> vector<10000x128xf32>
    %add3A_37 = arith.addf %add3A_31, %dot_general3A_36 : vector<10000x128xf32>
    %get3A_38 = arith.constant 0 : index
    %get3A_39 = arith.constant 0 : index
    %get3A_40 = vector.load %arg5[%get3A_38, %get3A_39] : memref<1x128xf32, #tpu.memory_space<vmem>>, vector<1x128xf32>
    %add3A_41 = vector.broadcast %get3A_40 : vector<1x128xf32> to vector<10000x128xf32>
    %add3A_42 = arith.addf %add3A_37, %add3A_41 : vector<10000x128xf32>
    %reduce_sum3A = arith.constant dense<0.000000e+00> : vector<10000xf32>
    %reduce_sum3A_43 = vector.multi_reduction <add>, %add3A_42, %reduce_sum3A [1] : vector<10000x128xf32> to vector<10000xf32>
    %broadcast_in_dim3A = vector.shape_cast %reduce_sum3A_43 : vector<10000xf32> to vector<10000x1xf32>
    %div3A_44 = arith.constant 1.280000e+02 : f32
    %div3A_45 = vector.broadcast %div3A_44 : f32 to vector<10000x1xf32>
    %div3A_46 = arith.divf %broadcast_in_dim3A, %div3A_45 : vector<10000x1xf32>
    %sub3A = vector.broadcast %div3A_46 : vector<10000x1xf32> to vector<10000x128xf32>
    %sub3A_47 = arith.subf %add3A_42, %sub3A : vector<10000x128xf32>
    %mul3A = arith.mulf %sub3A_47, %sub3A_47 : vector<10000x128xf32>
    %reduce_sum3A_48 = arith.constant dense<0.000000e+00> : vector<10000xf32>
    %reduce_sum3A_49 = vector.multi_reduction <add>, %mul3A, %reduce_sum3A_48 [1] : vector<10000x128xf32> to vector<10000xf32>
    %broadcast_in_dim3A_50 = vector.shape_cast %reduce_sum3A_49 : vector<10000xf32> to vector<10000x1xf32>
    %div3A_51 = arith.constant 1.280000e+02 : f32
    %div3A_52 = vector.broadcast %div3A_51 : f32 to vector<10000x1xf32>
    %div3A_53 = arith.divf %broadcast_in_dim3A_50, %div3A_52 : vector<10000x1xf32>
    %add3A_54 = arith.constant 9.99999974E-6 : f32
    %add3A_55 = vector.broadcast %add3A_54 : f32 to vector<10000x1xf32>
    %add3A_56 = arith.addf %div3A_53, %add3A_55 : vector<10000x1xf32>
    %rsqrt3A = math.rsqrt %add3A_56 : vector<10000x1xf32>
    %mul3A_57 = vector.broadcast %rsqrt3A : vector<10000x1xf32> to vector<10000x128xf32>
    %mul3A_58 = arith.mulf %sub3A_47, %mul3A_57 : vector<10000x128xf32>
    %get3A_59 = arith.constant 0 : index
    %get3A_60 = arith.constant 0 : index
    %get3A_61 = vector.load %arg6[%get3A_59, %get3A_60] : memref<1x128xf32, #tpu.memory_space<vmem>>, vector<1x128xf32>
    %mul3A_62 = vector.broadcast %get3A_61 : vector<1x128xf32> to vector<10000x128xf32>
    %mul3A_63 = arith.mulf %mul3A_58, %mul3A_62 : vector<10000x128xf32>
    %get3A_64 = arith.constant 0 : index
    %get3A_65 = arith.constant 0 : index
    %get3A_66 = vector.load %arg7[%get3A_64, %get3A_65] : memref<1x128xf32, #tpu.memory_space<vmem>>, vector<1x128xf32>
    %add3A_67 = vector.broadcast %get3A_66 : vector<1x128xf32> to vector<10000x128xf32>
    %add3A_68 = arith.addf %mul3A_63, %add3A_67 : vector<10000x128xf32>
    %swap3A = arith.constant 0 : index
    %swap3A_69 = arith.constant 0 : index
    %swap3A_70 = vector.load %arg8[%swap3A, %swap3A_69] : memref<10000x128xf32, #tpu.memory_space<vmem>>, vector<10000x128xf32>
    tpu.vector_store %arg8[%swap3A, %swap3A_69], %add3A_68 {strides = array<i32>} : memref<10000x128xf32, #tpu.memory_space<vmem>>, vector<10000x128xf32>,
    return
  }
}

</mosaic_0001>

<sc_bundles>
// kernel: kernel.10.cloned.1.call-start
scs
__scs_entry_jumppad:
0x0: {  	(pc) =	sbr.rel $0x88, $3  }
0x1: {  	(tag) =	ssettag $0x0;
	lr =	simm.s32 $0x1  }
0x2: {  	[smem:$0x3F96] =	sst lr;
	_ =	strace $0xD0000000  }
0x3: {  	_ = 	snop  }
0x4: {  	_ = 	snop  }
0x5: {  	_ = 	snop  }
0x6: {  	_ = 	snop  }
0x7: {  	_ = 	snop  }
__scs_overlays_trampoline_lowered:
0x8: {  	[smem:$0x3FA5] =	sst s0  }
0x9: {  	[smem:$0x3FA6] =	sst s1  }
0xa: {  	[smem:$0x3FA7] =	sst s2  }
0xb: {  	[smem:$0x3FA8] =	sst s3  }
0xc: {  	[smem:$0x3FA9] =	sst s4  }
0xd: {  	[smem:$0x3FAA] =	sst s5  }
0xe: {  	[smem:$0x3FAB] =	sst s6  }
0xf: {  	[smem:$0x3FAC] =	sst s7  }
0x10: {  	[smem:$0x3FAD] =	sst s8  }
0x11: {  	[smem:$0x3FAE] =	sst s9;
	s0 =	simm.s32 @!p0 $0x0  }
0x12: {  	s1 =	sld [smem:$0x3F94];
	s0 =	simm.s32 @p0 $0x1  }
0x13: {  	[smem:$0x3FAF] =	sst s0;
	s0 =	simm.s32 @!p1 $0x0  }
0x14: {  	s2 =	sld [smem:$0x3F93];
	s0 =	simm.s32 @p1 $0x1  }
0x15: {  	[smem:$0x3FB0] =	sst s0;
	s0 =	simm.s32 @!p2 $0x0  }
0x16: {  	s3 =	sld [smem:$0x3FDB];
	s0 =	simm.s32 @p2 $0x1  }
0x17: {  	s4 =	simm.s32 $0x1BF5;
	[smem:$0x3FB2] =	sst s0  }
0x18: {  	s0 =	sld [smem:$0x3F95];
	_ =	swait.ge [sflag:s4], $0x0  }
0x19: {  	s7 =	sld [smem:$0x3F96]  }
0x1a: {  	s8 =	sadd.s32 $0xFFFFE003, lr  }
0x1b: {  	s9 =	sadd.s32 $0xFFFFFEF7, lr;
	s5 =	simm.s32 $0xFFFFFFFF;
	p2 =	slt.u32 s8, $0xFFFFF086  }
0x1c: {  	p1 =	slt.u32 s9, $0xF7A;
	s5 =	simm.s32 @!p2 $0x0  }
0x1d: {  	s5 =	simm.s32 @p1 $0x1;
	p0 =	seq.s32 s7, s2  }
0x1e: {  	s7 =	smul.u32 @!p0 $0xF7A, s2;
	p2 =	seq.s32 @!p0 s5, $0x0  }
0x1f: {  	s9 =	smul.u32 $0xF7A, s1;
	s8 =	simm.s32 @!p0 $0x1BF5;
	p2 =	por !p2, p0  }
0x20: {  	[sflag:s8] =	ssyncset.s32 @!p0 $0xFFFFF086;
	s6 =	sadd.s32 @!p0 s3, s7;
	s7 =	simm.s32 @!p0 $0x108  }
0x21: {  	s3 =	sadd.s32 s3, s9;
	s6 =	sadd.s32 @!p0 $0x88, s6;
	s7 =	simm.s32 @p2 $0x1082  }
0x22: {  	[simem:s7], [sflag:s8] =	dma.local @!p0 [hbm:s6], $0xF7A  }
0x23: {  	s9 =	sor.u32 $0xD0000000, s2;
	s6 =	simm.s32 $0x108;
	_ =	swait.ge @!p0 [sflag:s8], $0x0  }
0x24: {  	s3 =	sadd.s32 $0x88, s3;
	s6 =	simm.s32 @!p1 $0x1082;
	[sflag:s4] =	ssyncset.s32 $0xFFFFF086  }
0x25: {  	[simem:s6], [sflag:s4] =	dma.local [hbm:s3], $0xF7A  }
0x26: {  	[smem:$0x3F96] =	sst s1;
	(tag) =	ssettag s2;
	_ =	strace s9  }
0x27: {  	s1 =	sld [smem:$0x3FA6]  }
0x28: {  	s2 =	sld [smem:$0x3FA7]  }
0x29: {  	s4 =	sld [smem:$0x3FA9]  }
0x2a: {  	p0 =	seq.s32 s5, $0x0;
	s5 =	sld [smem:$0x3FAA]  }
0x2b: {  	s6 =	sld [smem:$0x3FAB]  }
0x2c: {  	s7 =	sld [smem:$0x3FAC]  }
0x2d: {  	s3 =	simm.s32 $0x108;
	s8 =	sld [smem:$0x3FAD]  }
0x2e: {  	s3 =	simm.s32 @!p0 $0x1082;
	s9 =	sld [smem:$0x3FAE]  }
0x2f: {  	lr =	sadd.s32 s0, s3;
	s0 =	sld [smem:$0x3FA5]  }
0x30: {  	s3 =	sld [smem:$0x3FA8]  }
0x31: {  	[smem:$0x3FB1] =	sst s10  }
0x32: {  	s10 =	sld [smem:$0x3FAF];
	_ =	sdelay $0x3  }
0x33: {  	p0 =	seq.s32 s10, $0x1;
	s10 =	sld [smem:$0x3FB1];
	_ =	sdelay $0x3  }
0x34: {  	[smem:$0x3FB1] =	sst s10  }
0x35: {  	s10 =	sld [smem:$0x3FB0];
	_ =	sdelay $0x3  }
0x36: {  	p1 =	seq.s32 s10, $0x1;
	s10 =	sld [smem:$0x3FB1];
	_ =	sdelay $0x3  }
0x37: {  	[smem:$0x3FB1] =	sst s10  }
0x38: {  	s10 =	sld [smem:$0x3FB2]  }
0x39: {  	_ = 	snop;
	(pc) =	sbr.ind lr, $3  }
0x3a: {  	_ = 	snop  }
0x3b: {  	_ = 	snop  }
0x3c: {  	p2 =	seq.s32 s10, $0x1;
	s10 =	sld [smem:$0x3FB1]  }
0x3d: {  	_ =	shalt  }
0x3e: {  	_ =	shalt  }
0x3f: {  	_ =	shalt  }
0x40: {  	_ =	shalt  }
0x41: {  	_ =	shalt  }
0x42: {  	_ =	shalt  }
0x43: {  	_ =	shalt  }
0x44: {  	_ =	shalt  }
0x45: {  	_ =	shalt  }
0x46: {  	_ =	shalt  }
0x47: {  	_ =	shalt  }
0x48: {  	_ =	shalt  }
0x49: {  	_ =	shalt  }
0x4a: {  	_ =	shalt  }
0x4b: {  	_ =	shalt  }
0x4c: {  	_ =	shalt  }
0x4d: {  	_ =	shalt  }
0x4e: {  	_ =	shalt  }
0x4f: {  	_ =	shalt  }
0x50: {  	_ =	shalt  }
0x51: {  	_ =	shalt  }
0x52: {  	_ =	shalt  }
0x53: {  	_ =	shalt  }
0x54: {  	_ =	shalt  }
0x55: {  	_ =	shalt  }
0x56: {  	_ =	shalt  }
0x57: {  	_ =	shalt  }
0x58: {  	_ =	shalt  }
0x59: {  	_ =	shalt  }
0x5a: {  	_ =	shalt  }
0x5b: {  	_ =	shalt  }
0x5c: {  	_ =	shalt  }
0x5d: {  	_ =	shalt  }
0x5e: {  	_ =	shalt  }
0x5f: {  	_ =	shalt  }
0x60: {  	_ =	shalt  }
0x61: {  	_ =	shalt  }
0x62: {  	_ =	shalt  }
0x63: {  	_ =	shalt  }
0x64: {  	_ =	shalt  }
0x65: {  	_ =	shalt  }
0x66: {  	_ =	shalt  }
0x67: {  	_ =	shalt  }
0x68: {  	_ =	shalt  }
0x69: {  	_ =	shalt  }
0x6a: {  	_ =	shalt  }
0x6b: {  	_ =	shalt  }
0x6c: {  	_ =	shalt  }
0x6d: {  	_ =	shalt  }
0x6e: {  	_ =	shalt  }
0x6f: {  	_ =	shalt  }
0x70: {  	_ =	shalt  }
0x71: {  	_ =	shalt  }
0x72: {  	_ =	shalt  }
0x73: {  	_ =	shalt  }
0x74: {  	_ =	shalt  }
0x75: {  	_ =	shalt  }
0x76: {  	_ =	shalt  }
0x77: {  	_ =	shalt  }
0x78: {  	_ =	shalt  }
0x79: {  	_ =	shalt  }
0x7a: {  	_ =	shalt  }
0x7b: {  	_ =	shalt  }
0x7c: {  	_ =	shalt  }
0x7d: {  	_ =	shalt  }
0x7e: {  	_ =	shalt  }
0x7f: {  	_ =	shalt  }
0x80: {  	_ =	shalt  }
0x81: {  	_ =	shalt  }
0x82: {  	_ =	shalt  }
0x83: {  	_ =	shalt  }
0x84: {  	_ =	shalt  }
0x85: {  	_ =	shalt  }
0x86: {  	_ =	shalt  }
0x87: {  	_ =	shalt  }
.Lfunc_end0:
.L_simem_size_0:
called_computation.1_lowered:
.L_overlay_start_0:
0x88: {  	s2 =	sld [smem:$0x3FD9]  }
0x89: {  	s3 =	sld [smem:$0x3FFE];
	_ =	sdelay $0x1  }
0x8a: {  	s1 =	srdreg.scid  }
0x8b: {  	s0 =	sand.u32 $0x1, s1  }
0x8c: {  	s14 =	sshll.u32 s0, $0xA;
	s2 =	sadd.s32 s3, s2  }
0x8d: {  	s2 =	sadd.s32 s2, s14  }
0x8e: {  	[smem:$0x3FBD] =	sst s2  }
0x8f: {  	_ = 	snop  }
0x90: {  	s2 =	sld [smem:$0x3FD0];
	_ =	sdelay $0x2  }
0x91: {  	s15 =	simm.s32 $0xA;
	s4 =	simm.s32 $0x10  }
0x92: {  	[smem:s4], [sflag:s15] =	dma.local [hbm:s2], $0x1  }
0x93: {  	_ =	swait.eq [sflag:s15], $0x1  }
0x94: {  	[sflag:s15] =	ssyncset.done $0x0  }
0x95: {  	[sflag:s15] =	ssyncadd.s32 $0xFFFFFFFF  }
0x96: {  	s16 =	sld [smem:$0x10];
	(tm) =	ssettm $0x1  }
0x97: {  	s17 =	sld [smem:$0x3FFB];
	_ =	sdelay $0x3  }
0x98: {  	_ =	strace s17  }
0x99: {  	s3 =	sld [smem:$0x3FFC];
	_ =	sdelay $0x3  }
0x9a: {  	_ =	strace s3  }
0x9b: {  	s3 =	sld [smem:$0x3FFD];
	_ =	sdelay $0x3  }
0x9c: {  	_ =	strace s3  }
0x9d: {  	_ =	strace $0x8FFFFFFF  }
0x9e: {  	s18 =	sld [smem:$0x3FDB];
	_ =	sdelay $0x1  }
0x9f: {  	s19 =	simm.s32 $_scs_section_size  }
0xa0: {  	s5 =	simm.s32 $_size__tile_overlayer_lowered;
	s6 =	simm.s32 $_tile_overlayer_lowered  }
0xa1: {  	s22 =	simm.s32 $0x1BFF;
	s21 =	sshll.u32 s6, $0x1;
	s3 =	sadd.s32 s19, s18  }
0xa2: {  	s7 =	simm.s32 $0x0;
	s20 =	sshll.u32 s5, $0x1;
	s5 =	sadd.s32 s21, s3  }
0xa3: {  	[timem:s7], [sflag:s22] =	dma.local [hbm:s5], s20  }
0xa4: {  	_ =	swait.ge [sflag:s22], s20  }
0xa5: {  	s4 =	ssub.s32 $0x0, s20;
	[sflag:s22] =	ssyncset.done $0x0  }
0xa6: {  	[sflag:s22] =	ssyncadd.s32 s4;
	_ =	sdelay $0x1  }
0xa7: {  	s23 =	simm.s32 $0x1B8B  }
0xa8: {  	_ =	swait.ge [sflag:s23], $0x1  }
0xa9: {  	[sflag:s23] =	ssyncset.done $0x0  }
0xaa: {  	s25 =	simm.s32 $0x1B8E;
	s24 =	sld [smem:$0x3FFE];
	[sflag:s23] =	ssyncadd.s32 $0xFFFFFFFF  }
0xab: {  	s26 =	simm.s32 $execute0_lowered;
	[smem:$0x3FD2] =	sst s25  }
0xac: {  	s5 =	sshll.u32 s26, $0x1;
	_ =	strace $0x80000049;
	[dreg:$0x1] =	wrdreg $0xFFFFFFFF  }
0xad: {  	s28 =	simm.s32 $_size_execute0_lowered;
	s3 =	sadd.s32 s3, s5;
	[dreg:$0x0] =	wrdreg $0x0  }
0xae: {  	s5 =	sshll.u32 s28, $0x1;
	[dreg:$0x2] =	wrdreg s3  }
0xaf: {  	[dreg:$0x3] =	wrdreg s5  }
0xb0: {  	[dreg:$0x4] =	wrdreg $0xC0  }
0xb1: {  	_ =	task [dreg:s7], $0x5FFFF  }
0xb2: {  	[dreg:$0x1] =	wrdreg $0xFFFFFFFF  }
0xb3: {  	[dreg:$0x0] =	wrdreg $0x60  }
0xb4: {  	[dreg:$0x2] =	wrdreg s24  }
0xb5: {  	[dreg:$0x3] =	wrdreg s16  }
0xb6: {  	[dreg:$0x4] =	wrdreg $0x0  }
0xb7: {  	[dreg:$0x5] =	wrdreg $0x27100  }
0xb8: {  	[dreg:$0x6] =	wrdreg $0x9  }
0xb9: {  	_ =	task.clear_ibuf [dreg:s7], $0x7FFFF;
	_ =	strace $0x90000049  }
0xba: {  	s29 =	simm.s32 $0x9;
	_ =	strace $0x8000004B  }
0xbb: {  	_ =	swait.ge [sflag:s29], $0x1  }
0xbc: {  	[sflag:s29] =	ssyncadd.s32 $0xFFFFFFFF  }
0xbd: {  	_ =	strace $0x9000004B  }
0xbe: {  	_ =	sfence  }
0xbf: {  	s30 =	sld [smem:$0x0];
	_ =	sdelay $0x2  }
0xc0: {  	s31 =	sshll.u32 s1, $0xD;
	s1 =	sshrl.u32 s1, $0x2  }
0xc1: {  	s3 =	sand.u32 $0x4000, s31;
	s1 =	sadd.s32 s1, s30  }
0xc2: {  	s0 =	sor.u32 s3, s0;
	s1 =	sshll.u32 s1, $0x11  }
0xc3: {  	s0 =	sor.u32 s1, s0  }
0xc4: {  	s0 =	sadd.s32 $0x8F2B, s0  }
0xc5: {  	[sflag:s0] =	ssyncadd.remote.s32 $0x1  }
0xc6: {  	_ =	sfence.sel $0xFFFF  }
0xc7: {  	[dreg:$0x0] =	wrdreg $0xFFFFFFFF;
	(pc) =	sbr.abs _section_cstart, $3  }
0xc8: {  	[dreg:$0x1] =	wrdreg $0xFFFFFFFF  }
0xc9: {  	_ =	task.clear_ibuf [dreg:s7], $0x2FFFF;
	_ =	strace $0x9FFFFFFF  }
0xca: {  	(tm) =	ssettm $0x7FFFFFFF  }
0xcb: {  	_ =	shalt  }
tec
execute0_lowered:
.L_overlay_start_1:
0x0: {  	(tag) =	ssettag $0x1  }
0x1: {  	s6 =	rddreg [dreg:$0x0]  }
0x2: {  	s12 =	rddreg [dreg:$0x1]  }
0x3: {  	s1 =	rddreg [dreg:$0x2];
	s0 =	srdreg.scid  }
0x4: {  	s3 =	rddreg [dreg:$0x3];
	s2 =	stileid.u32  }
0x5: {  	s4 =	simm.s32 $0x0;
	s18 =	simm.s32 $0x4E20;
	s19 =	simm.s32 $0x55F0  }
0x6: {  	s20 =	simm.s32 $0x5DC0;
	s21 =	simm.s32 $0x7D0;
	s8 =	smul.u32 $0x2710, s2  }
0x7: {  	s5 =	sand.u32 $0x1, s0;
	s0 =	rddreg [dreg:$0x4];
	s28 =	smul.u32 $0x4E20, s2  }
0x8: {  	s22 =	simm.s32 $0x0;
	[smem:$0x7FF] =	sst s4;
	s7 =	smul.u32 $0x4E200, s5  }
0x9: {  	s31 =	sshll.u32 s2, $0x6;
	s9 =	smul.u32 $0x27100, s5;
	_ =	strace $0x8000004A  }
0xa: {  	s26 =	ssub.s32 $0x2, s5;
	s5 =	sadd.s32 $0xA6A00, s6;
	s25 =	sshrl.u32 s8, $0x3  }
0xb: {  	s14 =	sshrl.u32 s26, $0x1;
	s16 =	sadd.s32 s8, s1;
	s17 =	sadd.s32 s8, s3  }
0xc: {  	s10 =	sadd.s32 s7, s6;
	s11 =	sadd.s32 s8, s9;
	s7 =	sadd.s32 s25, s6  }
0xd: {  	s9 =	ssub.s32 s26, s14;
	s14 =	simm.s32 $0x1;
	s16 =	sshrl.u32 s16, $0x3  }
0xe: {  	s17 =	sshrl.u32 s17, $0x3;
	s13 =	sshrl.u32 s11, $0x3;
	s9 =	smax.u32 s9, $0x1  }
0xf: {  	s10 =	sadd.s32 s28, s10;
	s29 =	sadd.s32 $0x4E200, s11;
	s15 =	sadd.s32 s13, s6  }
0x10: {  	s6 =	sadd.s32 $0xA1A00, s7;
	s10 =	sadd.s32 $0x5600, s10;
	s11 =	sadd.s32 s13, s12  }
0x11: {  	s30 =	sshrl.u32 s29, $0x3;
	s13 =	simm.s32 $0xDAC0;
	s7 =	sadd.s32 $0xA7A00, s15  }
0x12: {  	s8 =	sadd.s32 $0xB1800, s15;
	s12 =	sadd.s32 s30, s12;
	s15 =	sor.u32 $0x1C01, s31  }
.LBB2_1:
0x13: {  	[tilespmem:s13], [sflag:$0x1] =	stream.linear.gather [hbm4b:s5+s4], $0x7D00, $0x38;
	[tilespmem:$0x157C0] =	vst v63  }
0x14: {  	_ =	swait.ge [sflag:s14], $0x7D00  }
0x15: {  	[sflag:s14] =	ssyncset.done $0x0  }
0x16: {  	[sflag:s14] =	ssyncadd.s32 $0xFFFF8300  }
0x17: {  	[spmem:s16], [sflag:s15] =	dma.local [hbm:s6], $0x4E2  }
0x18: {  	_ =	swait.ge [sflag:s14], $0x4E2  }
0x19: {  	[sflag:s14] =	ssyncset.done $0x0  }
0x1a: {  	[sflag:s14] =	ssyncadd.s32 $0xFFFFFB1E  }
0x1b: {  	[spmem:s17], [sflag:s15] =	dma.local [hbm:s6], $0x4E2  }
0x1c: {  	_ =	swait.ge [sflag:s14], $0x4E2  }
0x1d: {  	[sflag:s14] =	ssyncset.done $0x0  }
0x1e: {  	[sflag:s14] =	ssyncadd.s32 $0xFFFFFB1E  }
0x1f: {  	s23 =	sadd.s32 $0x0, s11;
	[bflag:$0x0] =	sbarrier.arrive $0xFFFF  }
0x20: {  	[tilespmem:s18], [sflag:$0x1] =	stream.linear.gather [hbm4b:s23+s4], $0x7D0, $0x38;
	[tilespmem:$0x157C0] =	vst v63  }
0x21: {  	_ =	swait.ge [sflag:s14], $0x7D0  }
0x22: {  	[sflag:s14] =	ssyncset.done $0x0  }
0x23: {  	s31 =	sadd.s32 $0x0, s12;
	[sflag:s14] =	ssyncadd.s32 $0xFFFFF830  }
0x24: {  	[tilespmem:s19], [sflag:$0x1] =	stream.linear.gather [hbm4b:s31+s4], $0x7D0, $0x38;
	[tilespmem:$0x157C0] =	vst v63  }
0x25: {  	_ =	swait.ge [sflag:s14], $0x7D0  }
0x26: {  	[sflag:s14] =	ssyncset.done $0x0  }
0x27: {  	[sflag:s14] =	ssyncadd.s32 $0xFFFFF830  }
0x28: {  	[tilespmem:s20], [sflag:$0x1] =	stream.linear.gather [hbm4b:s10+s4], $0x7D00, $0x38;
	[tilespmem:$0x157C0] =	vst v63  }
0x29: {  	_ =	swait.ge [sflag:s14], $0x7D00  }
0x2a: {  	[sflag:s14] =	ssyncset.done $0x0  }
0x2b: {  	[sflag:s14] =	ssyncadd.s32 $0xFFFF8300  }
0x2c: {  	[spmem:s1] =	stream.indirect.scatter.add.f32 [tilespmem:s20], [sflag:$0x1], $0x10, s18, s21, $0xb8;
	[tilespmem:$0x157C0] =	vst v63  }
0x2d: {  	_ =	swait.ge [sflag:s14], $0x7D00  }
0x2e: {  	[sflag:s14] =	ssyncset.done $0x0  }
0x2f: {  	[sflag:s14] =	ssyncadd.s32 $0xFFFF8300  }
0x30: {  	[spmem:s1] =	stream.indirect.scatter.add.f32 [tilespmem:s20], [sflag:$0x1], $0x10, s19, s21, $0xb8;
	[tilespmem:$0x157C0] =	vst v63  }
0x31: {  	_ =	swait.ge [sflag:s14], $0x7D00  }
0x32: {  	[sflag:s14] =	ssyncset.done $0x0  }
0x33: {  	[sflag:s14] =	ssyncadd.s32 $0xFFFF8300  }
0x34: {  	[spmem:s3] =	stream.indirect.scatter.add.f32 [tilespmem:s13], [sflag:$0x1], $0x10, s18, s21, $0xb8;
	[tilespmem:$0x157C0] =	vst v63  }
0x35: {  	_ =	swait.ge [sflag:s14], $0x7D00  }
0x36: {  	[sflag:s14] =	ssyncset.done $0x0  }
0x37: {  	[sflag:s14] =	ssyncadd.s32 $0xFFFF8300  }
0x38: {  	[spmem:s3] =	stream.indirect.scatter.add.f32 [tilespmem:s13], [sflag:$0x1], $0x10, s19, s21, $0xb8;
	[tilespmem:$0x157C0] =	vst v63  }
0x39: {  	s24 =	simm.s32 $0xFA;
	_ =	swait.ge [sflag:s14], $0x7D00  }
0x3a: {  	s25 =	simm.s32 $0x1F4;
	s23 =	sadd.s32 $0xFA0, s10;
	[sflag:s14] =	ssyncset.done $0x0  }
.LBB2_2:
0x3b: {  	s26 =	sadd.s32 s24, s11  }
0x3c: {  	[sflag:s14] =	ssyncadd.s32 $0xFFFF8300;
	s28 =	smov.u32 s25;
	s29 =	sadd.s32 $0xFA, s25  }
0x3d: {  	[tilespmem:s18], [sflag:$0x1] =	stream.linear.gather [hbm4b:s26+s4], $0x7D0, $0x38;
	[tilespmem:$0x157C0] =	vst v63  }
0x3e: {  	p0 =	sne.s32 s25, $0x3E8;
	_ =	swait.ge [sflag:s14], $0x7D0  }
0x3f: {  	[sflag:s14] =	ssyncset.done $0x0  }
0x40: {  	s25 =	sadd.s32 s24, s12;
	s24 =	smov.u32 s28;
	[sflag:s14] =	ssyncadd.s32 $0xFFFFF830  }
0x41: {  	[tilespmem:s19], [sflag:$0x1] =	stream.linear.gather [hbm4b:s25+s4], $0x7D0, $0x38;
	[tilespmem:$0x157C0] =	vst v63  }
0x42: {  	_ =	swait.ge [sflag:s14], $0x7D0  }
0x43: {  	[sflag:s14] =	ssyncset.done $0x0  }
0x44: {  	[sflag:s14] =	ssyncadd.s32 $0xFFFFF830  }
0x45: {  	[tilespmem:s20], [sflag:$0x1] =	stream.linear.gather [hbm4b:s23+s4], $0x7D00, $0x38;
	[tilespmem:$0x157C0] =	vst v63  }
0x46: {  	_ =	swait.ge [sflag:s14], $0x7D00  }
0x47: {  	[sflag:s14] =	ssyncset.done $0x0  }
0x48: {  	[sflag:s14] =	ssyncadd.s32 $0xFFFF8300  }
0x49: {  	[spmem:s1] =	stream.indirect.scatter.add.f32 [tilespmem:s20], [sflag:$0x1], $0x10, s18, s21, $0xb8;
	[tilespmem:$0x157C0] =	vst v63  }
0x4a: {  	_ =	swait.ge [sflag:s14], $0x7D00  }
0x4b: {  	[sflag:s14] =	ssyncset.done $0x0  }
0x4c: {  	[sflag:s14] =	ssyncadd.s32 $0xFFFF8300  }
0x4d: {  	[spmem:s1] =	stream.indirect.scatter.add.f32 [tilespmem:s20], [sflag:$0x1], $0x10, s19, s21, $0xb8;
	[tilespmem:$0x157C0] =	vst v63  }
0x4e: {  	_ =	swait.ge [sflag:s14], $0x7D00  }
0x4f: {  	[sflag:s14] =	ssyncset.done $0x0  }
0x50: {  	[sflag:s14] =	ssyncadd.s32 $0xFFFF8300  }
0x51: {  	[spmem:s3] =	stream.indirect.scatter.add.f32 [tilespmem:s13], [sflag:$0x1], $0x10, s18, s21, $0xb8;
	[tilespmem:$0x157C0] =	vst v63  }
0x52: {  	_ =	swait.ge [sflag:s14], $0x7D00  }
.Ltmp0:
0x53: {  	[sflag:s14] =	ssyncset.done $0x0;
	(pc) =	sbr.rel @p0 .LBB2_2-.Ltmp0, $4  }
0x54: {  	[sflag:s14] =	ssyncadd.s32 $0xFFFF8300  }
0x55: {  	[spmem:s3] =	stream.indirect.scatter.add.f32 [tilespmem:s13], [sflag:$0x1], $0x10, s19, s21, $0xb8;
	[tilespmem:$0x157C0] =	vst v63  }
0x56: {  	_ =	swait.ge [sflag:s14], $0x7D00  }
0x57: {  	s25 =	smov.u32 s29;
	s23 =	sadd.s32 $0xFA0, s23;
	[sflag:s14] =	ssyncset.done $0x0  }
0x58: {  	s25 =	sadd.s32 s24, s11;
	[sflag:s14] =	ssyncadd.s32 $0xFFFF8300  }
0x59: {  	[tilespmem:s18], [sflag:$0x1] =	stream.linear.gather [hbm4b:s25+s4], $0x7D0, $0x38;
	[tilespmem:$0x157C0] =	vst v63  }
0x5a: {  	_ =	swait.ge [sflag:s14], $0x7D0  }
0x5b: {  	[sflag:s14] =	ssyncset.done $0x0  }
0x5c: {  	s31 =	sadd.s32 s24, s12;
	[sflag:s14] =	ssyncadd.s32 $0xFFFFF830  }
0x5d: {  	[tilespmem:s19], [sflag:$0x1] =	stream.linear.gather [hbm4b:s31+s4], $0x7D0, $0x38;
	[tilespmem:$0x157C0] =	vst v63  }
0x5e: {  	_ =	swait.ge [sflag:s14], $0x7D0  }
0x5f: {  	[sflag:s14] =	ssyncset.done $0x0  }
0x60: {  	[sflag:s14] =	ssyncadd.s32 $0xFFFFF830  }
0x61: {  	[tilespmem:s20], [sflag:$0x1] =	stream.linear.gather [hbm4b:s23+s4], $0x7D00, $0x38;
	[tilespmem:$0x157C0] =	vst v63  }
0x62: {  	_ =	swait.ge [sflag:s14], $0x7D00  }
0x63: {  	[sflag:s14] =	ssyncset.done $0x0  }
0x64: {  	[sflag:s14] =	ssyncadd.s32 $0xFFFF8300  }
0x65: {  	[spmem:s1] =	stream.indirect.scatter.add.f32 [tilespmem:s20], [sflag:$0x1], $0x10, s18, s21, $0xb8;
	[tilespmem:$0x157C0] =	vst v63  }
0x66: {  	_ =	swait.ge [sflag:s14], $0x7D00  }
0x67: {  	[sflag:s14] =	ssyncset.done $0x0  }
0x68: {  	[sflag:s14] =	ssyncadd.s32 $0xFFFF8300  }
0x69: {  	[spmem:s1] =	stream.indirect.scatter.add.f32 [tilespmem:s20], [sflag:$0x1], $0x10, s19, s21, $0xb8;
	[tilespmem:$0x157C0] =	vst v63  }
0x6a: {  	_ =	swait.ge [sflag:s14], $0x7D00  }
0x6b: {  	[sflag:s14] =	ssyncset.done $0x0  }
0x6c: {  	[sflag:s14] =	ssyncadd.s32 $0xFFFF8300  }
0x6d: {  	[spmem:s3] =	stream.indirect.scatter.add.f32 [tilespmem:s13], [sflag:$0x1], $0x10, s18, s21, $0xb8;
	[tilespmem:$0x157C0] =	vst v63  }
0x6e: {  	_ =	swait.ge [sflag:s14], $0x7D00  }
0x6f: {  	[sflag:s14] =	ssyncset.done $0x0  }
0x70: {  	[sflag:s14] =	ssyncadd.s32 $0xFFFF8300  }
0x71: {  	[spmem:s3] =	stream.indirect.scatter.add.f32 [tilespmem:s13], [sflag:$0x1], $0x10, s19, s21, $0xb8;
	[tilespmem:$0x157C0] =	vst v63  }
0x72: {  	_ =	swait.ge [sflag:s14], $0x7D00  }
0x73: {  	[sflag:s14] =	ssyncset.done $0x0  }
0x74: {  	[sflag:s14] =	ssyncadd.s32 $0xFFFF8300  }
0x75: {  	[bflag:$0x0] =	sbarrier.arrive $0xFFFF  }
0x76: {  	[hbm:s7], [sflag:s15] =	dma.local [spmem:s16], $0x4E2  }
0x77: {  	s22 =	sadd.s32 $0x1, s22;
	_ =	swait.ge [sflag:s14], $0x4E2  }
0x78: {  	p0 =	sne.s32 s22, s9;
	[sflag:s14] =	ssyncset.done $0x0  }
.Ltmp1:
0x79: {  	[sflag:s14] =	ssyncadd.s32 $0xFFFFFB1E;
	(pc) =	sbr.rel @p0 .LBB2_1-.Ltmp1, $4  }
0x7a: {  	[hbm:s8], [sflag:s15] =	dma.local [spmem:s17], $0x4E2  }
0x7b: {  	_ =	swait.ge [sflag:s14], $0x4E2  }
0x7c: {  	[sflag:s14] =	ssyncset.done $0x0  }
0x7d: {  	[sflag:s14] =	ssyncadd.s32 $0xFFFFFB1E  }
0x7e: {  	_ =	sfence.sel $0x180000  }
0x7f: {  	[bflag:$0x0] =	sbarrier.arrive $0xFFFF  }
0x80: {  	p0 =	sne.s32 s2, $0x0;
	_ =	strace $0x9000004A  }
0x81: {  	s0 =	sadd.s32 @!p0 $0x100000, s0;
	[bflag:$0x2] =	sbarrier.arrive $0xFFFF  }
0x82: {  	[sflag:s0] =	ssyncadd.tile.s32 @!p0 $0x1;
	_ =	shalt  }
.Lfunc_end2:
_tile_overlayer_lowered:
.L_overlay_start_2:
0x83: {  	(tag) =	ssettag $0x2  }
0x84: {  	s0 =	rddreg [dreg:$0x0];
	s2 =	stileid.u32  }
0x85: {  	s1 =	rddreg [dreg:$0x1];
	p0 =	sne.s32 s2, $0x0  }
0x86: {  	s3 =	rddreg [dreg:$0x2];
	[bflag:$0x3] =	sbarrier.arrive $0xFFFF;
	s2 =	simm.s32 @!p0 $0x1C01  }
0x87: {  	[timem:s3], [sflag:s2] =	dma.local @!p0 [hbm:s0], s1  }
0x88: {  	s0 =	simm.s32 @!p0 $0x1  }
0x89: {  	_ =	swait.ge @!p0 [sflag:s0], s1  }
0x8a: {  	s1 =	ssub.s32 @!p0 $0x0, s1;
	[sflag:s0] =	ssyncset.done @!p0 $0x0  }
0x8b: {  	[sflag:s0] =	ssyncadd.s32 @!p0 s1  }
0x8c: {  	[bflag:$0x3] =	sbarrier.arrive $0xFFFF  }
0x8d: {  	_ =	shalt  }

// kernel: kernel.7.cloned.1.call-start
scs
__scs_entry_jumppad:
0x0: {  	(pc) =	sbr.rel $0x88, $3  }
0x1: {  	(tag) =	ssettag $0x0;
	lr =	simm.s32 $0x1  }
0x2: {  	[smem:$0x3F96] =	sst lr;
	_ =	strace $0xD0000000  }
0x3: {  	_ = 	snop  }
0x4: {  	_ = 	snop  }
0x5: {  	_ = 	snop  }
0x6: {  	_ = 	snop  }
0x7: {  	_ = 	snop  }
__scs_overlays_trampoline_lowered:
0x8: {  	[smem:$0x3FA5] =	sst s0  }
0x9: {  	[smem:$0x3FA6] =	sst s1  }
0xa: {  	[smem:$0x3FA7] =	sst s2  }
0xb: {  	[smem:$0x3FA8] =	sst s3  }
0xc: {  	[smem:$0x3FA9] =	sst s4  }
0xd: {  	[smem:$0x3FAA] =	sst s5  }
0xe: {  	[smem:$0x3FAB] =	sst s6  }
0xf: {  	[smem:$0x3FAC] =	sst s7  }
0x10: {  	[smem:$0x3FAD] =	sst s8  }
0x11: {  	[smem:$0x3FAE] =	sst s9;
	s0 =	simm.s32 @!p0 $0x0  }
0x12: {  	s1 =	sld [smem:$0x3F94];
	s0 =	simm.s32 @p0 $0x1  }
0x13: {  	[smem:$0x3FAF] =	sst s0;
	s0 =	simm.s32 @!p1 $0x0  }
0x14: {  	s2 =	sld [smem:$0x3F93];
	s0 =	simm.s32 @p1 $0x1  }
0x15: {  	[smem:$0x3FB0] =	sst s0;
	s0 =	simm.s32 @!p2 $0x0  }
0x16: {  	s3 =	sld [smem:$0x3FDB];
	s0 =	simm.s32 @p2 $0x1  }
0x17: {  	s4 =	simm.s32 $0x1BF5;
	[smem:$0x3FB2] =	sst s0  }
0x18: {  	s0 =	sld [smem:$0x3F95];
	_ =	swait.ge [sflag:s4], $0x0  }
0x19: {  	s7 =	sld [smem:$0x3F96]  }
0x1a: {  	s8 =	sadd.s32 $0xFFFFE003, lr  }
0x1b: {  	s9 =	sadd.s32 $0xFFFFFEF7, lr;
	s5 =	simm.s32 $0xFFFFFFFF;
	p2 =	slt.u32 s8, $0xFFFFF086  }
0x1c: {  	p1 =	slt.u32 s9, $0xF7A;
	s5 =	simm.s32 @!p2 $0x0  }
0x1d: {  	s5 =	simm.s32 @p1 $0x1;
	p0 =	seq.s32 s7, s2  }
0x1e: {  	s7 =	smul.u32 @!p0 $0xF7A, s2;
	p2 =	seq.s32 @!p0 s5, $0x0  }
0x1f: {  	s9 =	smul.u32 $0xF7A, s1;
	s8 =	simm.s32 @!p0 $0x1BF5;
	p2 =	por !p2, p0  }
0x20: {  	[sflag:s8] =	ssyncset.s32 @!p0 $0xFFFFF086;
	s6 =	sadd.s32 @!p0 s3, s7;
	s7 =	simm.s32 @!p0 $0x108  }
0x21: {  	s3 =	sadd.s32 s3, s9;
	s6 =	sadd.s32 @!p0 $0x88, s6;
	s7 =	simm.s32 @p2 $0x1082  }
0x22: {  	[simem:s7], [sflag:s8] =	dma.local @!p0 [hbm:s6], $0xF7A  }
0x23: {  	s9 =	sor.u32 $0xD0000000, s2;
	s6 =	simm.s32 $0x108;
	_ =	swait.ge @!p0 [sflag:s8], $0x0  }
0x24: {  	s3 =	sadd.s32 $0x88, s3;
	s6 =	simm.s32 @!p1 $0x1082;
	[sflag:s4] =	ssyncset.s32 $0xFFFFF086  }
0x25: {  	[simem:s6], [sflag:s4] =	dma.local [hbm:s3], $0xF7A  }
0x26: {  	[smem:$0x3F96] =	sst s1;
	(tag) =	ssettag s2;
	_ =	strace s9  }
0x27: {  	s1 =	sld [smem:$0x3FA6]  }
0x28: {  	s2 =	sld [smem:$0x3FA7]  }
0x29: {  	s4 =	sld [smem:$0x3FA9]  }
0x2a: {  	p0 =	seq.s32 s5, $0x0;
	s5 =	sld [smem:$0x3FAA]  }
0x2b: {  	s6 =	sld [smem:$0x3FAB]  }
0x2c: {  	s7 =	sld [smem:$0x3FAC]  }
0x2d: {  	s3 =	simm.s32 $0x108;
	s8 =	sld [smem:$0x3FAD]  }
0x2e: {  	s3 =	simm.s32 @!p0 $0x1082;
	s9 =	sld [smem:$0x3FAE]  }
0x2f: {  	lr =	sadd.s32 s0, s3;
	s0 =	sld [smem:$0x3FA5]  }
0x30: {  	s3 =	sld [smem:$0x3FA8]  }
0x31: {  	[smem:$0x3FB1] =	sst s10  }
0x32: {  	s10 =	sld [smem:$0x3FAF];
	_ =	sdelay $0x3  }
0x33: {  	p0 =	seq.s32 s10, $0x1;
	s10 =	sld [smem:$0x3FB1];
	_ =	sdelay $0x3  }
0x34: {  	[smem:$0x3FB1] =	sst s10  }
0x35: {  	s10 =	sld [smem:$0x3FB0];
	_ =	sdelay $0x3  }
0x36: {  	p1 =	seq.s32 s10, $0x1;
	s10 =	sld [smem:$0x3FB1];
	_ =	sdelay $0x3  }
0x37: {  	[smem:$0x3FB1] =	sst s10  }
0x38: {  	s10 =	sld [smem:$0x3FB2]  }
0x39: {  	_ = 	snop;
	(pc) =	sbr.ind lr, $3  }
0x3a: {  	_ = 	snop  }
0x3b: {  	_ = 	snop  }
0x3c: {  	p2 =	seq.s32 s10, $0x1;
	s10 =	sld [smem:$0x3FB1]  }
0x3d: {  	_ =	shalt  }
0x3e: {  	_ =	shalt  }
0x3f: {  	_ =	shalt  }
0x40: {  	_ =	shalt  }
0x41: {  	_ =	shalt  }
0x42: {  	_ =	shalt  }
0x43: {  	_ =	shalt  }
0x44: {  	_ =	shalt  }
0x45: {  	_ =	shalt  }
0x46: {  	_ =	shalt  }
0x47: {  	_ =	shalt  }
0x48: {  	_ =	shalt  }
0x49: {  	_ =	shalt  }
0x4a: {  	_ =	shalt  }
0x4b: {  	_ =	shalt  }
0x4c: {  	_ =	shalt  }
0x4d: {  	_ =	shalt  }
0x4e: {  	_ =	shalt  }
0x4f: {  	_ =	shalt  }
0x50: {  	_ =	shalt  }
0x51: {  	_ =	shalt  }
0x52: {  	_ =	shalt  }
0x53: {  	_ =	shalt  }
0x54: {  	_ =	shalt  }
0x55: {  	_ =	shalt  }
0x56: {  	_ =	shalt  }
0x57: {  	_ =	shalt  }
0x58: {  	_ =	shalt  }
0x59: {  	_ =	shalt  }
0x5a: {  	_ =	shalt  }
0x5b: {  	_ =	shalt  }
0x5c: {  	_ =	shalt  }
0x5d: {  	_ =	shalt  }
0x5e: {  	_ =	shalt  }
0x5f: {  	_ =	shalt  }
0x60: {  	_ =	shalt  }
0x61: {  	_ =	shalt  }
0x62: {  	_ =	shalt  }
0x63: {  	_ =	shalt  }
0x64: {  	_ =	shalt  }
0x65: {  	_ =	shalt  }
0x66: {  	_ =	shalt  }
0x67: {  	_ =	shalt  }
0x68: {  	_ =	shalt  }
0x69: {  	_ =	shalt  }
0x6a: {  	_ =	shalt  }
0x6b: {  	_ =	shalt  }
0x6c: {  	_ =	shalt  }
0x6d: {  	_ =	shalt  }
0x6e: {  	_ =	shalt  }
0x6f: {  	_ =	shalt  }
0x70: {  	_ =	shalt  }
0x71: {  	_ =	shalt  }
0x72: {  	_ =	shalt  }
0x73: {  	_ =	shalt  }
0x74: {  	_ =	shalt  }
0x75: {  	_ =	shalt  }
0x76: {  	_ =	shalt  }
0x77: {  	_ =	shalt  }
0x78: {  	_ =	shalt  }
0x79: {  	_ =	shalt  }
0x7a: {  	_ =	shalt  }
0x7b: {  	_ =	shalt  }
0x7c: {  	_ =	shalt  }
0x7d: {  	_ =	shalt  }
0x7e: {  	_ =	shalt  }
0x7f: {  	_ =	shalt  }
0x80: {  	_ =	shalt  }
0x81: {  	_ =	shalt  }
0x82: {  	_ =	shalt  }
0x83: {  	_ =	shalt  }
0x84: {  	_ =	shalt  }
0x85: {  	_ =	shalt  }
0x86: {  	_ =	shalt  }
0x87: {  	_ =	shalt  }
.Lfunc_end0:
.L_simem_size_0:
called_computation_lowered:
.L_overlay_start_0:
0x88: {  	s2 =	sld [smem:$0x3FD9]  }
0x89: {  	s3 =	sld [smem:$0x3FFE];
	_ =	sdelay $0x1  }
0x8a: {  	s1 =	srdreg.scid  }
0x8b: {  	s0 =	sand.u32 $0x1, s1  }
0x8c: {  	s14 =	sshll.u32 s0, $0xA;
	s2 =	sadd.s32 s3, s2  }
0x8d: {  	s2 =	sadd.s32 s2, s14  }
0x8e: {  	[smem:$0x3FBD] =	sst s2  }
0x8f: {  	_ = 	snop  }
0x90: {  	s2 =	sld [smem:$0x3FD0];
	_ =	sdelay $0x2  }
0x91: {  	s15 =	simm.s32 $0xA;
	s4 =	simm.s32 $0x10  }
0x92: {  	[smem:s4], [sflag:s15] =	dma.local [hbm:s2], $0x1  }
0x93: {  	_ =	swait.eq [sflag:s15], $0x1  }
0x94: {  	[sflag:s15] =	ssyncset.done $0x0  }
0x95: {  	[sflag:s15] =	ssyncadd.s32 $0xFFFFFFFF  }
0x96: {  	s16 =	sld [smem:$0x10];
	(tm) =	ssettm $0x1  }
0x97: {  	s17 =	sld [smem:$0x3FFB];
	_ =	sdelay $0x3  }
0x98: {  	_ =	strace s17  }
0x99: {  	s3 =	sld [smem:$0x3FFC];
	_ =	sdelay $0x3  }
0x9a: {  	_ =	strace s3  }
0x9b: {  	s3 =	sld [smem:$0x3FFD];
	_ =	sdelay $0x3  }
0x9c: {  	_ =	strace s3  }
0x9d: {  	_ =	strace $0x8FFFFFFF  }
0x9e: {  	s18 =	sld [smem:$0x3FDB];
	_ =	sdelay $0x1  }
0x9f: {  	s19 =	simm.s32 $_scs_section_size  }
0xa0: {  	s5 =	simm.s32 $_size__tile_overlayer_lowered;
	s6 =	simm.s32 $_tile_overlayer_lowered  }
0xa1: {  	s22 =	simm.s32 $0x1BFF;
	s21 =	sshll.u32 s6, $0x1;
	s3 =	sadd.s32 s19, s18  }
0xa2: {  	s7 =	simm.s32 $0x0;
	s20 =	sshll.u32 s5, $0x1;
	s5 =	sadd.s32 s21, s3  }
0xa3: {  	[timem:s7], [sflag:s22] =	dma.local [hbm:s5], s20  }
0xa4: {  	_ =	swait.ge [sflag:s22], s20  }
0xa5: {  	s4 =	ssub.s32 $0x0, s20;
	[sflag:s22] =	ssyncset.done $0x0  }
0xa6: {  	[sflag:s22] =	ssyncadd.s32 s4;
	_ =	sdelay $0x1  }
0xa7: {  	s23 =	simm.s32 $0x1B8B  }
0xa8: {  	_ =	swait.ge [sflag:s23], $0x1  }
0xa9: {  	[sflag:s23] =	ssyncset.done $0x0  }
0xaa: {  	s25 =	simm.s32 $0x1B8E;
	s24 =	sld [smem:$0x3FFE];
	[sflag:s23] =	ssyncadd.s32 $0xFFFFFFFF  }
0xab: {  	s26 =	simm.s32 $execute0_lowered;
	[smem:$0x3FD2] =	sst s25  }
0xac: {  	s5 =	sshll.u32 s26, $0x1;
	_ =	strace $0x80000046;
	[dreg:$0x1] =	wrdreg $0xFFFFFFFF  }
0xad: {  	s28 =	simm.s32 $_size_execute0_lowered;
	s3 =	sadd.s32 s3, s5;
	[dreg:$0x0] =	wrdreg $0x0  }
0xae: {  	s5 =	sshll.u32 s28, $0x1;
	[dreg:$0x2] =	wrdreg s3  }
0xaf: {  	[dreg:$0x3] =	wrdreg s5  }
0xb0: {  	[dreg:$0x4] =	wrdreg $0xC0  }
0xb1: {  	_ =	task [dreg:s7], $0x5FFFF  }
0xb2: {  	[dreg:$0x1] =	wrdreg $0xFFFFFFFF  }
0xb3: {  	[dreg:$0x0] =	wrdreg $0x60  }
0xb4: {  	[dreg:$0x2] =	wrdreg s24  }
0xb5: {  	[dreg:$0x3] =	wrdreg s16  }
0xb6: {  	[dreg:$0x4] =	wrdreg $0x0  }
0xb7: {  	[dreg:$0x5] =	wrdreg $0x27100  }
0xb8: {  	[dreg:$0x6] =	wrdreg $0x9  }
0xb9: {  	_ =	task.clear_ibuf [dreg:s7], $0x7FFFF;
	_ =	strace $0x90000046  }
0xba: {  	s29 =	simm.s32 $0x9;
	_ =	strace $0x80000048  }
0xbb: {  	_ =	swait.ge [sflag:s29], $0x1  }
0xbc: {  	[sflag:s29] =	ssyncadd.s32 $0xFFFFFFFF  }
0xbd: {  	_ =	strace $0x90000048  }
0xbe: {  	_ =	sfence  }
0xbf: {  	s30 =	sld [smem:$0x0];
	_ =	sdelay $0x2  }
0xc0: {  	s31 =	sshll.u32 s1, $0xD;
	s1 =	sshrl.u32 s1, $0x2  }
0xc1: {  	s3 =	sand.u32 $0x4000, s31;
	s1 =	sadd.s32 s1, s30  }
0xc2: {  	s0 =	sor.u32 s3, s0;
	s1 =	sshll.u32 s1, $0x11  }
0xc3: {  	s0 =	sor.u32 s1, s0  }
0xc4: {  	s0 =	sadd.s32 $0x8F2B, s0  }
0xc5: {  	[sflag:s0] =	ssyncadd.remote.s32 $0x1  }
0xc6: {  	_ =	sfence.sel $0xFFFF  }
0xc7: {  	[dreg:$0x0] =	wrdreg $0xFFFFFFFF;
	(pc) =	sbr.abs _section_cstart, $3  }
0xc8: {  	[dreg:$0x1] =	wrdreg $0xFFFFFFFF  }
0xc9: {  	_ =	task.clear_ibuf [dreg:s7], $0x2FFFF;
	_ =	strace $0x9FFFFFFF  }
0xca: {  	(tm) =	ssettm $0x7FFFFFFF  }
0xcb: {  	_ =	shalt  }
tec
execute0_lowered:
.L_overlay_start_1:
0x0: {  	(tag) =	ssettag $0x1  }
0x1: {  	s7 =	rddreg [dreg:$0x0]  }
0x2: {  	s1 =	rddreg [dreg:$0x1]  }
0x3: {  	s2 =	rddreg [dreg:$0x2]  }
0x4: {  	s3 =	rddreg [dreg:$0x3]  }
0x5: {  	s0 =	rddreg [dreg:$0x4]  }
0x6: {  	s4 =	simm.s32 $0x0;
	s6 =	srdreg.scid;
	s10 =	stileid.u32  }
0x7: {  	s12 =	simm.s32 $0x4E20;
	s13 =	simm.s32 $0x1;
	s14 =	simm.s32 $0x55F0  }
0x8: {  	s15 =	simm.s32 $0x7D0;
	s16 =	simm.s32 $0x5DC0;
	s17 =	simm.s32 $0xDAC0  }
0x9: {  	s18 =	simm.s32 $0x157C0;
	s19 =	simm.s32 $0x0;
	[smem:$0x7FF] =	sst s4  }
0xa: {  	s5 =	sadd.s32 $0x5600, s7;
	s8 =	sand.u32 $0x1, s6;
	s6 =	sadd.s32 $0xA600, s7  }
0xb: {  	s7 =	sadd.s32 $0xF600, s7;
	p0 =	sne.s32 s10, $0x0;
	s9 =	ssub.s32 $0x2, s8  }
0xc: {  	_ =	strace $0x80000047;
	s8 =	sshll.u32 s8, $0x4;
	s11 =	sshrl.u32 s9, $0x1  }
0xd: {  	s8 =	sor.u32 s10, s8;
	s10 =	sshrl.u32 @!p0 s2, $0x3;
	s9 =	ssub.s32 s9, s11  }
0xe: {  	s8 =	smul.u32 $0x2710, s8;
	s11 =	sshrl.u32 @!p0 s3, $0x3;
	s9 =	smax.u32 s9, $0x1  }
.LBB2_1:
0xf: {  	s20 =	simm.s32 @!p0 $0x1C01;
	s21 =	simm.s32 @!p0 $0x1  }
0x10: {  	[spmem:s10], [sflag:s20] =	dma.local @!p0 [hbm:s5], $0x4E20  }
0x11: {  	_ =	swait.ge @!p0 [sflag:s21], $0x4E20  }
0x12: {  	[sflag:s21] =	ssyncset.done @!p0 $0x0  }
0x13: {  	[sflag:s21] =	ssyncadd.s32 @!p0 $0xFFFFB1E0  }
0x14: {  	[spmem:s11], [sflag:s20] =	dma.local @!p0 [hbm:s6], $0x4E20  }
0x15: {  	_ =	swait.ge @!p0 [sflag:s21], $0x4E20  }
0x16: {  	[sflag:s21] =	ssyncset.done @!p0 $0x0  }
0x17: {  	[sflag:s21] =	ssyncadd.s32 @!p0 $0xFFFFB1E0  }
0x18: {  	s20 =	simm.s32 $0x0;
	[bflag:$0x0] =	sbarrier.arrive $0xFFFF  }
.LBB2_2:
0x19: {  	s21 =	smul.u32 $0x7D0, s20;
	_ =	sdelay $0x1  }
0x1a: {  	s21 =	sadd.s32 s8, s21  }
0x1b: {  	s22 =	sshrl.u32 s21, $0x3  }
0x1c: {  	s22 =	sadd.s32 s1, s22  }
0x1d: {  	[tilespmem:s12], [sflag:$0x1] =	stream.linear.gather [hbm4b:s22+s4], $0x7D0, $0x38;
	[tilespmem:$0x1D4C0] =	vst v63  }
0x1e: {  	_ =	swait.ge [sflag:s13], $0x7D0  }
0x1f: {  	[sflag:s13] =	ssyncset.done $0x0  }
0x20: {  	s22 =	sadd.s32 $0x9C40, s22;
	[sflag:s13] =	ssyncadd.s32 $0xFFFFF830  }
0x21: {  	[tilespmem:s14], [sflag:$0x1] =	stream.linear.gather [hbm4b:s22+s4], $0x7D0, $0x38;
	[tilespmem:$0x1D4C0] =	vst v63  }
0x22: {  	_ =	swait.ge [sflag:s13], $0x7D0  }
0x23: {  	[sflag:s13] =	ssyncset.done $0x0  }
0x24: {  	[sflag:s13] =	ssyncadd.s32 $0xFFFFF830  }
0x25: {  	[tilespmem:s16], [sflag:$0x1] =	stream.indirect.gather [spmem:s2], $0x10, s12, s15, $0xb8;
	[tilespmem:$0x1D4C0] =	vst v63  }
0x26: {  	_ =	swait.ge [sflag:s13], $0x7D00  }
0x27: {  	[sflag:s13] =	ssyncset.done $0x0  }
0x28: {  	[sflag:s13] =	ssyncadd.s32 $0xFFFF8300  }
0x29: {  	[tilespmem:s17], [sflag:$0x1] =	stream.indirect.gather [spmem:s3], $0x10, s14, s15, $0xb8;
	[tilespmem:$0x1D4C0] =	vst v63  }
0x2a: {  	_ =	swait.ge [sflag:s13], $0x7D00  }
0x2b: {  	[sflag:s13] =	ssyncset.done $0x0  }
0x2c: {  	s23 =	simm.s32 $0x5E00;
	[sflag:s13] =	ssyncadd.s32 $0xFFFF8300  }
0x2d: {  	s22 =	simm.s32 $0xDB00;
	v0 =	vld [tilespmem:s23+$0xFFFFFFC0]  }
0x2e: {  	v1 =	vld [tilespmem:s22+$0xFFFFFFC0];
	_ =	sdelay $0x4  }
0x2f: {  	v0 =	vadd.f32 v1, v0  }
0x30: {  	s24 =	simm.s32 $0x15800  }
0x31: {  	[tilespmem:s24+$0xFFFFFFC0] =	vst v0  }
0x32: {  	v0 =	vld [tilespmem:s22+$0xFFFFFFD0]  }
0x33: {  	v1 =	vld [tilespmem:s23+$0xFFFFFFD0];
	_ =	sdelay $0x4  }
0x34: {  	v0 =	vadd.f32 v0, v1;
	_ =	sdelay $0x1  }
0x35: {  	[tilespmem:s24+$0xFFFFFFD0] =	vst v0  }
0x36: {  	v0 =	vld [tilespmem:s23+$0xFFFFFFE0]  }
0x37: {  	v1 =	vld [tilespmem:s22+$0xFFFFFFE0];
	_ =	sdelay $0x4  }
0x38: {  	v0 =	vadd.f32 v1, v0;
	_ =	sdelay $0x1  }
0x39: {  	[tilespmem:s24+$0xFFFFFFE0] =	vst v0  }
0x3a: {  	v0 =	vld [tilespmem:s23+$0xFFFFFFF0]  }
0x3b: {  	v1 =	vld [tilespmem:s22+$0xFFFFFFF0];
	_ =	sdelay $0x4  }
0x3c: {  	v0 =	vadd.f32 v1, v0;
	_ =	sdelay $0x1  }
0x3d: {  	[tilespmem:s24+$0xFFFFFFF0] =	vst v0  }
0x3e: {  	v0 =	vld [tilespmem:s23+$0x0]  }
0x3f: {  	v1 =	vld [tilespmem:s22+$0x0];
	_ =	sdelay $0x4  }
0x40: {  	v0 =	vadd.f32 v1, v0;
	_ =	sdelay $0x1  }
0x41: {  	[tilespmem:s24+$0x0] =	vst v0  }
0x42: {  	v0 =	vld [tilespmem:s23+$0x10]  }
0x43: {  	v1 =	vld [tilespmem:s22+$0x10];
	_ =	sdelay $0x4  }
0x44: {  	v0 =	vadd.f32 v1, v0;
	_ =	sdelay $0x1  }
0x45: {  	[tilespmem:s24+$0x10] =	vst v0  }
0x46: {  	v0 =	vld [tilespmem:s23+$0x20]  }
0x47: {  	v1 =	vld [tilespmem:s22+$0x20];
	_ =	sdelay $0x4  }
0x48: {  	v0 =	vadd.f32 v1, v0;
	_ =	sdelay $0x1  }
0x49: {  	[tilespmem:s24+$0x20] =	vst v0  }
0x4a: {  	s25 =	simm.s32 $0x0;
	s26 =	simm.s32 $0x15880;
	v0 =	vld [tilespmem:s23+$0x30]  }
.LBB2_3:
0x4b: {  	s25 =	sadd.s32 $0x8, s25;
	v1 =	vld [tilespmem:s22+$0x30];
	s23 =	sadd.s32 $0x80, s23;
	s22 =	sadd.s32 $0x80, s22  }
0x4c: {  	p1 =	slt.u32 s25, $0x7C8;
	_ =	sdelay $0x3  }
0x4d: {  	v0 =	vadd.f32 v1, v0;
	_ =	sdelay $0x1  }
0x4e: {  	[tilespmem:s24+$0x30] =	vst v0;
	s24 =	smov.u32 s26  }
0x4f: {  	v0 =	vld [tilespmem:s23+$0xFFFFFFC0]  }
0x50: {  	v1 =	vld [tilespmem:s22+$0xFFFFFFC0];
	_ =	sdelay $0x4  }
0x51: {  	v0 =	vadd.f32 v1, v0;
	_ =	sdelay $0x1  }
0x52: {  	[tilespmem:s26+$0xFFFFFFC0] =	vst v0  }
0x53: {  	v0 =	vld [tilespmem:s22+$0xFFFFFFD0]  }
0x54: {  	v1 =	vld [tilespmem:s23+$0xFFFFFFD0];
	_ =	sdelay $0x4  }
0x55: {  	v0 =	vadd.f32 v0, v1;
	_ =	sdelay $0x1  }
0x56: {  	[tilespmem:s26+$0xFFFFFFD0] =	vst v0  }
0x57: {  	v0 =	vld [tilespmem:s23+$0xFFFFFFE0]  }
0x58: {  	v1 =	vld [tilespmem:s22+$0xFFFFFFE0];
	_ =	sdelay $0x4  }
0x59: {  	v0 =	vadd.f32 v1, v0;
	_ =	sdelay $0x1  }
0x5a: {  	[tilespmem:s26+$0xFFFFFFE0] =	vst v0  }
0x5b: {  	v0 =	vld [tilespmem:s23+$0xFFFFFFF0]  }
0x5c: {  	v1 =	vld [tilespmem:s22+$0xFFFFFFF0];
	_ =	sdelay $0x4  }
0x5d: {  	v0 =	vadd.f32 v1, v0;
	_ =	sdelay $0x1  }
0x5e: {  	[tilespmem:s26+$0xFFFFFFF0] =	vst v0  }
0x5f: {  	v0 =	vld [tilespmem:s23+$0x0]  }
0x60: {  	v1 =	vld [tilespmem:s22+$0x0];
	_ =	sdelay $0x4  }
0x61: {  	v0 =	vadd.f32 v1, v0;
	_ =	sdelay $0x1  }
0x62: {  	[tilespmem:s26+$0x0] =	vst v0  }
0x63: {  	v0 =	vld [tilespmem:s23+$0x10]  }
0x64: {  	v1 =	vld [tilespmem:s22+$0x10];
	_ =	sdelay $0x4  }
0x65: {  	v0 =	vadd.f32 v1, v0;
	_ =	sdelay $0x1  }
0x66: {  	[tilespmem:s26+$0x10] =	vst v0  }
0x67: {  	v0 =	vld [tilespmem:s23+$0x20]  }
0x68: {  	v1 =	vld [tilespmem:s22+$0x20];
	_ =	sdelay $0x3  }
.Ltmp0:
0x69: {  	(pc) =	sbr.rel @p1 .LBB2_3-.Ltmp0, $3  }
0x6a: {  	v0 =	vadd.f32 v1, v0;
	_ =	sdelay $0x1  }
0x6b: {  	[tilespmem:s26+$0x20] =	vst v0  }
0x6c: {  	s26 =	sadd.s32 $0x80, s26;
	v0 =	vld [tilespmem:s23+$0x30]  }
0x6d: {  	v1 =	vld [tilespmem:s22+$0x30];
	_ =	sdelay $0x4  }
0x6e: {  	s20 =	sadd.s32 $0x1, s20;
	v0 =	vadd.f32 v1, v0  }
0x6f: {  	s21 =	sshll.u32 s21, $0x1;
	p1 =	sne.s32 s20, $0x5  }
.Ltmp1:
0x70: {  	s21 =	sadd.s32 s7, s21;
	[tilespmem:s24+$0x30] =	vst v0;
	(pc) =	sbr.rel @p1 .LBB2_2-.Ltmp1, $4  }
0x71: {  	[hbm4b:s21+s4] =	stream.linear.scatter [tilespmem:s18], [sflag:$0x1], $0x7D00, $0x38;
	[tilespmem:$0x1D4C0] =	vst v63  }
0x72: {  	_ =	swait.ge [sflag:s13], $0x7D00  }
0x73: {  	[sflag:s13] =	ssyncset.done $0x0  }
0x74: {  	[sflag:s13] =	ssyncadd.s32 $0xFFFF8300  }
0x75: {  	s19 =	sadd.s32 $0x1, s19  }
0x76: {  	p1 =	sne.s32 s19, s9  }
.Ltmp2:
0x77: {  	_ = 	snop;
	(pc) =	sbr.rel @p1 .LBB2_1-.Ltmp2, $1  }
0x78: {  	_ =	sdelay $0x3  }
0x79: {  	_ =	sfence.sel $0x180000  }
0x7a: {  	[bflag:$0x0] =	sbarrier.arrive $0xFFFF  }
0x7b: {  	_ =	strace $0x90000047  }
0x7c: {  	s0 =	sadd.s32 @!p0 $0x100000, s0;
	[bflag:$0x2] =	sbarrier.arrive $0xFFFF  }
0x7d: {  	[sflag:s0] =	ssyncadd.tile.s32 @!p0 $0x1;
	_ =	shalt  }
.Lfunc_end2:
_tile_overlayer_lowered:
.L_overlay_start_2:
0x7e: {  	(tag) =	ssettag $0x2  }
0x7f: {  	s0 =	rddreg [dreg:$0x0];
	s2 =	stileid.u32  }
0x80: {  	s1 =	rddreg [dreg:$0x1];
	p0 =	sne.s32 s2, $0x0  }
0x81: {  	s3 =	rddreg [dreg:$0x2];
	[bflag:$0x3] =	sbarrier.arrive $0xFFFF;
	s2 =	simm.s32 @!p0 $0x1C01  }
0x82: {  	[timem:s3], [sflag:s2] =	dma.local @!p0 [hbm:s0], s1  }
0x83: {  	s0 =	simm.s32 @!p0 $0x1  }
0x84: {  	_ =	swait.ge @!p0 [sflag:s0], s1  }
0x85: {  	s1 =	ssub.s32 @!p0 $0x0, s1;
	[sflag:s0] =	ssyncset.done @!p0 $0x0  }
0x86: {  	[sflag:s0] =	ssyncadd.s32 @!p0 s1  }
0x87: {  	[bflag:$0x3] =	sbarrier.arrive $0xFFFF  }
0x88: {  	_ =	shalt  }

</sc_bundles>
